<compile_context>
chip_gen: v7x
topology: tpu7x:2x2x1
jax: 0.10.2.dev20260603
libtpu: 0.0.44.dev20260713+nightly
codegen_flags: <defaults>
</compile_context>

<pallas_src>
import functools

import numpy as np
import jax
import jax.numpy as jnp
from jax import lax
from jax.experimental import pallas as pl
from jax.experimental.pallas import tpu as pltpu
from jax.experimental.pallas import tpu_sc as plsc

NUM_STATES = 64
NUM_OBS = 4
MAX_SEQ_LEN = 32
MAX_TREE_SIZE = 16384



def _build_structure():
    stack = [(0, ())]
    tree = []
    while stack and len(tree) < MAX_TREE_SIZE:
        d, seq = stack.pop()
        tree.append((d, seq))
        if d < MAX_SEQ_LEN:
            for o in range(NUM_OBS):
                stack.append((d + 1, seq + (o,)))

    tr_seq = np.zeros((MAX_TREE_SIZE, MAX_SEQ_LEN), np.int32)
    tr_len = np.zeros((MAX_TREE_SIZE,), np.int32)
    for t, (d, seq) in enumerate(tree):
        tr_len[t] = d
        tr_seq[t, : len(seq)] = seq

    rows = {0: [()]}
    retain = {}
    for d in range(1, 33):
        full = [s + (3 - j,) for j in range(4) for s in rows[d - 1]]
        if d <= 25:
            keep = 1
        elif d == 26:
            keep = 3
        else:
            keep = len(full)
        rows[d] = full[:keep]
        retain[d] = keep
    R = [len(rows[d]) for d in range(32)]
    roff = np.zeros(33, np.int64)
    for d in range(1, 33):
        roff[d] = roff[d - 1] + R[d - 1]
    total_rows = int(roff[32] + R[31])
    pad_rows = ((total_rows + 7) // 8) * 8

    index_of = {d: {s: i for i, s in enumerate(rows[d])} for d in range(32)}
    perm = np.zeros((MAX_TREE_SIZE,), np.int64)
    root_flat = total_rows * 4
    for t, (d, seq) in enumerate(tree):
        if d == 0:
            perm[t] = root_flat
        else:
            p = index_of[d - 1][seq[:-1]]
            j = 3 - seq[-1]
            perm[t] = (int(roff[d]) + p) * 4 + j
    return tr_seq, tr_len, perm, R, [int(x) for x in roff], total_rows, pad_rows


(_TR_SEQ, _TR_LEN, _PERM, _R, _ROFF, _TOTAL_ROWS, _PAD_ROWS) = _build_structure()
_RETAIN = [None] + [1] * 25 + [3] + [None] * 6




_BOOST = 256.0
_LOG_BOOST = float(np.log(256.0))
_RENORM = {4, 8, 12, 16, 20, 24, 28}


def _probs_kernel(log_T_ref, log_left_ref, log_right_ref, out_ref):
    f32 = jnp.float32
    log_T = log_T_ref[...]
    log_left = log_left_ref[...]
    log_right = log_right_ref[...]

    T = jnp.exp(log_T)
    Ws = [T[3 - j].T for j in range(4)]
    l_vec = jnp.exp(log_left)
    Wp = jnp.concatenate(
        [jnp.dot(Ws[j], l_vec.T, preferred_element_type=f32) for j in range(4)],
        axis=1,
    )

    z = log_left + log_right
    m0 = jnp.max(z)
    root_prob = jnp.log(jnp.sum(jnp.exp(z - m0))) + m0
    out_ref[pl.ds(_TOTAL_ROWS, 1), :] = jnp.full((1, 4), root_prob, f32)

    m0r = jnp.max(log_right, axis=1, keepdims=True)
    e = jnp.exp(log_right - m0r)
    m = m0r

    for d in range(1, 33):
        r_prev = _R[d - 1]
        p_block = jnp.log(jnp.dot(e, Wp, preferred_element_type=f32)) + m
        out_ref[pl.ds(_ROFF[d], r_prev), :] = p_block
        if d == 32:
            break
        keep = _RETAIN[d] if _RETAIN[d] is not None else 4 * r_prev
        blocks = []
        n_full = min(4, -(-keep // r_prev))
        for j in range(n_full):
            c = jnp.dot(e, Ws[j], preferred_element_type=f32)
            blocks.append(c * _BOOST)
        e = jnp.concatenate(blocks, axis=0)[:keep] if len(blocks) > 1 else blocks[0][:keep]
        m = jnp.concatenate([m] * n_full, axis=0)[:keep] - _LOG_BOOST if n_full > 1 else m - _LOG_BOOST
        if d in _RENORM:
            rm = jnp.max(e, axis=1, keepdims=True)
            e = e / rm
            m = m + jnp.log(rm)


def _compute_probs(log_T, log_left, log_right):
    out = pl.pallas_call(
        _probs_kernel,
        out_shape=jax.ShapeDtypeStruct((_PAD_ROWS, 4), jnp.float32),
    )(log_T, log_left.reshape(1, -1), log_right.reshape(1, -1))
    return out



_SUB = 128


def _sc_gather(table, idx):
    info = plsc.get_sparse_core_info()
    num_cores = info.num_cores
    nw = num_cores * info.num_subcores
    chunk = MAX_TREE_SIZE // nw
    nsub = chunk // _SUB
    mesh = plsc.VectorSubcoreMesh(core_axis_name="c", subcore_axis_name="s")

    @functools.partial(
        pl.kernel,
        mesh=mesh,
        out_type=jax.ShapeDtypeStruct((MAX_TREE_SIZE,), jnp.float32),
        scratch_types=(
            [pltpu.VMEM((_SUB,), jnp.int32) for _ in range(nsub)]
            + [pltpu.VMEM((_SUB,), jnp.float32) for _ in range(nsub)]
            + [pltpu.SemaphoreType.DMA for _ in range(nsub)]
        ),
    )
    def gather_kernel(table_hbm, idx_hbm, out_hbm, *scratch):
        idx_v = scratch[:nsub]
        val_v = scratch[nsub : 2 * nsub]
        sems = scratch[2 * nsub :]
        wid = lax.axis_index("s") * num_cores + lax.axis_index("c")
        base = wid * chunk
        for j in range(nsub):
            pltpu.sync_copy(idx_hbm.at[pl.ds(base + j * _SUB, _SUB)], idx_v[j])
        copies = [
            pltpu.async_copy(table_hbm.at[idx_v[j]], val_v[j], sems[j])
            for j in range(nsub)
        ]
        for j in range(nsub):
            copies[j].wait()
            pltpu.sync_copy(val_v[j], out_hbm.at[pl.ds(base + j * _SUB, _SUB)])

    return gather_kernel(table, idx)


def kernel(log_transition_matrices, log_left_eigenvector, log_right_eigenvector):
    probs = _compute_probs(
        log_transition_matrices.astype(jnp.float32),
        log_left_eigenvector.astype(jnp.float32),
        log_right_eigenvector.astype(jnp.float32),
    )
    flat = probs.reshape(-1)
    tr_prob = _sc_gather(flat, jnp.asarray(_PERM, dtype=jnp.int32))
    tr_seq = jnp.asarray(_TR_SEQ)
    tr_len = jnp.asarray(_TR_LEN)
    tr_size = jnp.array(MAX_TREE_SIZE, jnp.int32)
    return (tr_seq, tr_len, tr_prob, tr_size)

# --- scband reference (transcript-rebuilt; emitter-appended) ---
"""Pipeline reference for scband-mixed-state-tree-generator-73727408603448 (READ-ONLY COPY).

The authoritative reference and input builder live on the scoring server;
editing this copy changes nothing except your own understanding.
"""

import jax, jax.numpy as jnp
import numpy as np

NUM_STATES = 64
NUM_OBS = 4
MAX_SEQ_LEN = 32
MAX_TREE_SIZE = 16384
STACK_CAP = MAX_TREE_SIZE * NUM_OBS
LOG_PROB_THRESHOLD = -1e30


def setup_inputs(seed: int = 0):
    key = jax.random.key(seed)
    k1, k2, k3 = jax.random.split(key, 3)
    T = jax.random.uniform(k1, (NUM_OBS, NUM_STATES, NUM_STATES), minval=0.01, maxval=1.0)
    T = T / jnp.sum(T, axis=(0, 2), keepdims=True)
    log_T = jnp.log(T).astype(jnp.float32)
    log_left = jnp.log(jax.random.uniform(k2, (NUM_STATES,), minval=0.1, maxval=1.0)).astype(jnp.float32)
    log_right = jnp.log(jax.random.uniform(k3, (NUM_STATES,), minval=0.1, maxval=1.0)).astype(jnp.float32)
    return {"log_transition_matrices": log_T, "log_left_eigenvector": log_left, "log_right_eigenvector": log_right}


def reference(log_transition_matrices, log_left_eigenvector, log_right_eigenvector):
    num_obs, S, _ = log_transition_matrices.shape
    obs_ids = jnp.arange(num_obs, dtype=jnp.int32)

    # root node
    root_seq = jnp.zeros((MAX_SEQ_LEN,), jnp.int32)
    root_len = jnp.array(0, jnp.int32)
    root_state = log_right_eigenvector
    root_prob = jax.nn.logsumexp(log_left_eigenvector + root_state)

    # DFS stack (Stack collection), root pushed
    st_seq = jnp.zeros((STACK_CAP, MAX_SEQ_LEN), jnp.int32).at[0].set(root_seq)
    st_len = jnp.zeros((STACK_CAP,), jnp.int32).at[0].set(root_len)
    st_state = jnp.zeros((STACK_CAP, S), jnp.float32).at[0].set(root_state)
    st_prob = jnp.zeros((STACK_CAP,), jnp.float32).at[0].set(root_prob)
    st_size = jnp.array(1, jnp.int32)

    # TreeData.empty
    tr_seq = jnp.zeros((MAX_TREE_SIZE, MAX_SEQ_LEN), jnp.int32)
    tr_len = jnp.zeros((MAX_TREE_SIZE,), jnp.int32)
    tr_prob = jnp.zeros((MAX_TREE_SIZE,), jnp.float32)
    tr_size = jnp.array(0, jnp.int32)

    def cond_fn(carry):
        tr_size = carry[3]
        st_size = carry[8]
        return jnp.logical_and(st_size > 0, tr_size < MAX_TREE_SIZE)

    def body_fn(carry):
        (tr_seq, tr_len, tr_prob, tr_size, st_seq, st_len, st_state, st_prob, st_size) = carry
        # pop (_next_node / nodes.remove)
        top = st_size - 1
        seq = st_seq[top]
        slen = st_len[top]
        lstate = st_state[top]
        lprob = st_prob[top]
        st_size = st_size - 1
        # TreeData.add (scatter-overwrite at tr_size)
        tr_seq = tr_seq.at[tr_size].set(seq)
        tr_len = tr_len.at[tr_size].set(slen)
        tr_prob = tr_prob.at[tr_size].set(lprob)
        tr_size = tr_size + 1
        # get_child vectorized over all observations
        child_states = jax.nn.logsumexp(log_transition_matrices + lstate[None, None, :], axis=2)
        child_probs = jax.nn.logsumexp(log_left_eigenvector[None, :] + child_states, axis=1)
        write_pos = jnp.minimum(slen, MAX_SEQ_LEN - 1)
        child_seqs = jnp.broadcast_to(seq, (num_obs, MAX_SEQ_LEN)).at[:, write_pos].set(obs_ids)
        push_mask = jnp.logical_and(slen < MAX_SEQ_LEN, child_probs >= LOG_PROB_THRESHOLD)

        def push_one(i, st):
            st_seq, st_len, st_state, st_prob, st_size = st
            do = push_mask[i]
            idx = jnp.minimum(st_size, STACK_CAP - 1)
            st_seq = st_seq.at[idx].set(jnp.where(do, child_seqs[i], st_seq[idx]))
            st_len = st_len.at[idx].set(jnp.where(do, slen + 1, st_len[idx]))
            st_state = st_state.at[idx].set(jnp.where(do, child_states[i], st_state[idx]))
            st_prob = st_prob.at[idx].set(jnp.where(do, child_probs[i], st_prob[idx]))
            st_size = st_size + do.astype(jnp.int32)
            return (st_seq, st_len, st_state, st_prob, st_size)

        st_seq, st_len, st_state, st_prob, st_size = jax.lax.fori_loop(0, num_obs, push_one, (st_seq, st_len, st_state, st_prob, st_size))
        return (tr_seq, tr_len, tr_prob, tr_size, st_seq, st_len, st_state, st_prob, st_size)

    carry = (tr_seq, tr_len, tr_prob, tr_size, st_seq, st_len, st_state, st_prob, st_size)
    carry = jax.lax.while_loop(cond_fn, body_fn, carry)
    return (carry[0], carry[1], carry[2], carry[3])

if __name__ == "__main__":
    import jax
    _d = setup_inputs()
    print(jax.jit(kernel)(*tuple(_d.values())))

</pallas_src>

<mosaic_0001>
#map = affine_map<(d0, d1) -> (0)>
module attributes {stable_mosaic.version = 14 : i64} {
  func.func @gather_kernel(%arg0: i32, %arg1: i32, %arg2: memref<28800xf32, #tpu.memory_space<hbm>>, %arg3: memref<16384xi32, #tpu.memory_space<hbm>>, %arg4: memref<16384xf32, #tpu.memory_space<hbm>>, %arg5: memref<128xi32, #tpu.memory_space<vmem>>, %arg6: memref<128xi32, #tpu.memory_space<vmem>>, %arg7: memref<128xi32, #tpu.memory_space<vmem>>, %arg8: memref<128xi32, #tpu.memory_space<vmem>>, %arg9: memref<128xf32, #tpu.memory_space<vmem>>, %arg10: memref<128xf32, #tpu.memory_space<vmem>>, %arg11: memref<128xf32, #tpu.memory_space<vmem>>, %arg12: memref<128xf32, #tpu.memory_space<vmem>>, %arg13: memref<!tpu.dma_semaphore, #tpu.memory_space<semaphore_mem>>, %arg14: memref<!tpu.dma_semaphore, #tpu.memory_space<semaphore_mem>>, %arg15: memref<!tpu.dma_semaphore, #tpu.memory_space<semaphore_mem>>, %arg16: memref<!tpu.dma_semaphore, #tpu.memory_space<semaphore_mem>>) attributes {dimension_semantics = [#tpu.dimension_semantics<core_parallel>, #tpu.dimension_semantics<subcore_parallel>], iteration_bounds = array<i64: 2, 16>, scalar_prefetch = 0 : i64, scratch_operands = 12 : i64, tpu.core_type = #tpu.core_type<sc_vector_subcore>, window_params = [{transform_indices = #map}, {transform_indices = #map}, {transform_indices = #map}]} {
    %mul3A = arith.constant 2 : i32
    %mul3A_0 = arith.muli %arg1, %mul3A : i32
    %add3A = arith.addi %mul3A_0, %arg0 : i32
    %mul3A_1 = arith.constant 512 : i32
    %mul3A_2 = arith.muli %add3A, %mul3A_1 : i32
    %add3A_3 = arith.constant 0 : i32
    %add3A_4 = arith.addi %mul3A_2, %add3A_3 : i32
    "tpu.region"() ({
      %run_scoped3A = tpu.sem_alloc : memref<!tpu.dma_semaphore, #tpu.memory_space<semaphore_mem>>
      %dma_start3A_33 = tpu.memref_slice %arg3[%add3A_4] : memref<16384xi32, #tpu.memory_space<hbm>> -> memref<128xi32, #tpu.memory_space<hbm>>
      %dma_start3A_34 = tpu.memref_slice %arg3[%add3A_4] : memref<16384xi32, #tpu.memory_space<hbm>> -> memref<128xi32, #tpu.memory_space<hbm>>
      tpu.enqueue_dma source(%dma_start3A_34 : memref<128xi32, #tpu.memory_space<hbm>>) target(%arg5 : memref<128xi32, #tpu.memory_space<vmem>>) target_semaphore(%run_scoped3A : memref<!tpu.dma_semaphore, #tpu.memory_space<semaphore_mem>>)
      %dma_wait3A_35 = tpu.memref_slice %arg3[%add3A_4] : memref<16384xi32, #tpu.memory_space<hbm>> -> memref<128xi32, #tpu.memory_space<hbm>>
      %dma_wait3A_36 = tpu.memref_slice %arg3[%add3A_4] : memref<16384xi32, #tpu.memory_space<hbm>> -> memref<128xi32, #tpu.memory_space<hbm>>
      tpu.wait_dma2 semaphore(%run_scoped3A : memref<!tpu.dma_semaphore, #tpu.memory_space<semaphore_mem>>) src(%dma_wait3A_36 : memref<128xi32, #tpu.memory_space<hbm>>) dst(%arg5 : memref<128xi32, #tpu.memory_space<vmem>>)
      tpu.yield
    }) : () -> ()
    %add3A_5 = arith.constant 128 : i32
    %add3A_6 = arith.addi %mul3A_2, %add3A_5 : i32
    "tpu.region"() ({
      %run_scoped3A = tpu.sem_alloc : memref<!tpu.dma_semaphore, #tpu.memory_space<semaphore_mem>>
      %dma_start3A_33 = tpu.memref_slice %arg3[%add3A_6] : memref<16384xi32, #tpu.memory_space<hbm>> -> memref<128xi32, #tpu.memory_space<hbm>>
      %dma_start3A_34 = tpu.memref_slice %arg3[%add3A_6] : memref<16384xi32, #tpu.memory_space<hbm>> -> memref<128xi32, #tpu.memory_space<hbm>>
      tpu.enqueue_dma source(%dma_start3A_34 : memref<128xi32, #tpu.memory_space<hbm>>) target(%arg6 : memref<128xi32, #tpu.memory_space<vmem>>) target_semaphore(%run_scoped3A : memref<!tpu.dma_semaphore, #tpu.memory_space<semaphore_mem>>)
      %dma_wait3A_35 = tpu.memref_slice %arg3[%add3A_6] : memref<16384xi32, #tpu.memory_space<hbm>> -> memref<128xi32, #tpu.memory_space<hbm>>
      %dma_wait3A_36 = tpu.memref_slice %arg3[%add3A_6] : memref<16384xi32, #tpu.memory_space<hbm>> -> memref<128xi32, #tpu.memory_space<hbm>>
      tpu.wait_dma2 semaphore(%run_scoped3A : memref<!tpu.dma_semaphore, #tpu.memory_space<semaphore_mem>>) src(%dma_wait3A_36 : memref<128xi32, #tpu.memory_space<hbm>>) dst(%arg6 : memref<128xi32, #tpu.memory_space<vmem>>)
      tpu.yield
    }) : () -> ()
    %add3A_7 = arith.constant 256 : i32
    %add3A_8 = arith.addi %mul3A_2, %add3A_7 : i32
    "tpu.region"() ({
      %run_scoped3A = tpu.sem_alloc : memref<!tpu.dma_semaphore, #tpu.memory_space<semaphore_mem>>
      %dma_start3A_33 = tpu.memref_slice %arg3[%add3A_8] : memref<16384xi32, #tpu.memory_space<hbm>> -> memref<128xi32, #tpu.memory_space<hbm>>
      %dma_start3A_34 = tpu.memref_slice %arg3[%add3A_8] : memref<16384xi32, #tpu.memory_space<hbm>> -> memref<128xi32, #tpu.memory_space<hbm>>
      tpu.enqueue_dma source(%dma_start3A_34 : memref<128xi32, #tpu.memory_space<hbm>>) target(%arg7 : memref<128xi32, #tpu.memory_space<vmem>>) target_semaphore(%run_scoped3A : memref<!tpu.dma_semaphore, #tpu.memory_space<semaphore_mem>>)
      %dma_wait3A_35 = tpu.memref_slice %arg3[%add3A_8] : memref<16384xi32, #tpu.memory_space<hbm>> -> memref<128xi32, #tpu.memory_space<hbm>>
      %dma_wait3A_36 = tpu.memref_slice %arg3[%add3A_8] : memref<16384xi32, #tpu.memory_space<hbm>> -> memref<128xi32, #tpu.memory_space<hbm>>
      tpu.wait_dma2 semaphore(%run_scoped3A : memref<!tpu.dma_semaphore, #tpu.memory_space<semaphore_mem>>) src(%dma_wait3A_36 : memref<128xi32, #tpu.memory_space<hbm>>) dst(%arg7 : memref<128xi32, #tpu.memory_space<vmem>>)
      tpu.yield
    }) : () -> ()
    %add3A_9 = arith.constant 384 : i32
    %add3A_10 = arith.addi %mul3A_2, %add3A_9 : i32
    "tpu.region"() ({
      %run_scoped3A = tpu.sem_alloc : memref<!tpu.dma_semaphore, #tpu.memory_space<semaphore_mem>>
      %dma_start3A_33 = tpu.memref_slice %arg3[%add3A_10] : memref<16384xi32, #tpu.memory_space<hbm>> -> memref<128xi32, #tpu.memory_space<hbm>>
      %dma_start3A_34 = tpu.memref_slice %arg3[%add3A_10] : memref<16384xi32, #tpu.memory_space<hbm>> -> memref<128xi32, #tpu.memory_space<hbm>>
      tpu.enqueue_dma source(%dma_start3A_34 : memref<128xi32, #tpu.memory_space<hbm>>) target(%arg8 : memref<128xi32, #tpu.memory_space<vmem>>) target_semaphore(%run_scoped3A : memref<!tpu.dma_semaphore, #tpu.memory_space<semaphore_mem>>)
      %dma_wait3A_35 = tpu.memref_slice %arg3[%add3A_10] : memref<16384xi32, #tpu.memory_space<hbm>> -> memref<128xi32, #tpu.memory_space<hbm>>
      %dma_wait3A_36 = tpu.memref_slice %arg3[%add3A_10] : memref<16384xi32, #tpu.memory_space<hbm>> -> memref<128xi32, #tpu.memory_space<hbm>>
      tpu.wait_dma2 semaphore(%run_scoped3A : memref<!tpu.dma_semaphore, #tpu.memory_space<semaphore_mem>>) src(%dma_wait3A_36 : memref<128xi32, #tpu.memory_space<hbm>>) dst(%arg8 : memref<128xi32, #tpu.memory_space<vmem>>)
      tpu.yield
    }) : () -> ()
    %dma_start3A = arith.constant 0 : i32
    %dma_start3A_11 = tpu.memref_slice %arg2[%dma_start3A] : memref<28800xf32, #tpu.memory_space<hbm>> -> memref<28800xf32, #tpu.memory_space<hbm>>
    tpu.enqueue_indirect_dma source(%dma_start3A_11 : memref<28800xf32, #tpu.memory_space<hbm>>) target(%arg9 : memref<128xf32, #tpu.memory_space<vmem>>) offsets(%arg5 : memref<128xi32, #tpu.memory_space<vmem>>) semaphore(%arg13 : memref<!tpu.dma_semaphore, #tpu.memory_space<semaphore_mem>>)
    %dma_start3A_12 = arith.constant 0 : i32
    %dma_start3A_13 = tpu.memref_slice %arg2[%dma_start3A_12] : memref<28800xf32, #tpu.memory_space<hbm>> -> memref<28800xf32, #tpu.memory_space<hbm>>
    tpu.enqueue_indirect_dma source(%dma_start3A_13 : memref<28800xf32, #tpu.memory_space<hbm>>) target(%arg10 : memref<128xf32, #tpu.memory_space<vmem>>) offsets(%arg6 : memref<128xi32, #tpu.memory_space<vmem>>) semaphore(%arg14 : memref<!tpu.dma_semaphore, #tpu.memory_space<semaphore_mem>>)
    %dma_start3A_14 = arith.constant 0 : i32
    %dma_start3A_15 = tpu.memref_slice %arg2[%dma_start3A_14] : memref<28800xf32, #tpu.memory_space<hbm>> -> memref<28800xf32, #tpu.memory_space<hbm>>
    tpu.enqueue_indirect_dma source(%dma_start3A_15 : memref<28800xf32, #tpu.memory_space<hbm>>) target(%arg11 : memref<128xf32, #tpu.memory_space<vmem>>) offsets(%arg7 : memref<128xi32, #tpu.memory_space<vmem>>) semaphore(%arg15 : memref<!tpu.dma_semaphore, #tpu.memory_space<semaphore_mem>>)
    %dma_start3A_16 = arith.constant 0 : i32
    %dma_start3A_17 = tpu.memref_slice %arg2[%dma_start3A_16] : memref<28800xf32, #tpu.memory_space<hbm>> -> memref<28800xf32, #tpu.memory_space<hbm>>
    tpu.enqueue_indirect_dma source(%dma_start3A_17 : memref<28800xf32, #tpu.memory_space<hbm>>) target(%arg12 : memref<128xf32, #tpu.memory_space<vmem>>) offsets(%arg8 : memref<128xi32, #tpu.memory_space<vmem>>) semaphore(%arg16 : memref<!tpu.dma_semaphore, #tpu.memory_space<semaphore_mem>>)
    %dma_wait3A = arith.constant 0 : i32
    %dma_wait3A_18 = tpu.memref_slice %arg2[%dma_wait3A] : memref<28800xf32, #tpu.memory_space<hbm>> -> memref<28800xf32, #tpu.memory_space<hbm>>
    tpu.wait_indirect_dma semaphore(%arg13 : memref<!tpu.dma_semaphore, #tpu.memory_space<semaphore_mem>>) src(%dma_wait3A_18 : memref<28800xf32, #tpu.memory_space<hbm>>) dst(%arg9 : memref<128xf32, #tpu.memory_space<vmem>>)
    %add3A_19 = arith.constant 0 : i32
    %add3A_20 = arith.addi %mul3A_2, %add3A_19 : i32
    "tpu.region"() ({
      %run_scoped3A = tpu.sem_alloc : memref<!tpu.dma_semaphore, #tpu.memory_space<semaphore_mem>>
      %dma_start3A_33 = tpu.memref_slice %arg4[%add3A_20] : memref<16384xf32, #tpu.memory_space<hbm>> -> memref<128xf32, #tpu.memory_space<hbm>>
      %dma_start3A_34 = tpu.memref_slice %arg4[%add3A_20] : memref<16384xf32, #tpu.memory_space<hbm>> -> memref<128xf32, #tpu.memory_space<hbm>>
      tpu.enqueue_dma source(%arg9 : memref<128xf32, #tpu.memory_space<vmem>>) target(%dma_start3A_34 : memref<128xf32, #tpu.memory_space<hbm>>) target_semaphore(%run_scoped3A : memref<!tpu.dma_semaphore, #tpu.memory_space<semaphore_mem>>)
      %dma_wait3A_35 = tpu.memref_slice %arg4[%add3A_20] : memref<16384xf32, #tpu.memory_space<hbm>> -> memref<128xf32, #tpu.memory_space<hbm>>
      %dma_wait3A_36 = tpu.memref_slice %arg4[%add3A_20] : memref<16384xf32, #tpu.memory_space<hbm>> -> memref<128xf32, #tpu.memory_space<hbm>>
      tpu.wait_dma2 semaphore(%run_scoped3A : memref<!tpu.dma_semaphore, #tpu.memory_space<semaphore_mem>>) src(%arg9 : memref<128xf32, #tpu.memory_space<vmem>>) dst(%dma_wait3A_36 : memref<128xf32, #tpu.memory_space<hbm>>)
      tpu.yield
    }) : () -> ()
    %dma_wait3A_21 = arith.constant 0 : i32
    %dma_wait3A_22 = tpu.memref_slice %arg2[%dma_wait3A_21] : memref<28800xf32, #tpu.memory_space<hbm>> -> memref<28800xf32, #tpu.memory_space<hbm>>
    tpu.wait_indirect_dma semaphore(%arg14 : memref<!tpu.dma_semaphore, #tpu.memory_space<semaphore_mem>>) src(%dma_wait3A_22 : memref<28800xf32, #tpu.memory_space<hbm>>) dst(%arg10 : memref<128xf32, #tpu.memory_space<vmem>>)
    %add3A_23 = arith.constant 128 : i32
    %add3A_24 = arith.addi %mul3A_2, %add3A_23 : i32
    "tpu.region"() ({
      %run_scoped3A = tpu.sem_alloc : memref<!tpu.dma_semaphore, #tpu.memory_space<semaphore_mem>>
      %dma_start3A_33 = tpu.memref_slice %arg4[%add3A_24] : memref<16384xf32, #tpu.memory_space<hbm>> -> memref<128xf32, #tpu.memory_space<hbm>>
      %dma_start3A_34 = tpu.memref_slice %arg4[%add3A_24] : memref<16384xf32, #tpu.memory_space<hbm>> -> memref<128xf32, #tpu.memory_space<hbm>>
      tpu.enqueue_dma source(%arg10 : memref<128xf32, #tpu.memory_space<vmem>>) target(%dma_start3A_34 : memref<128xf32, #tpu.memory_space<hbm>>) target_semaphore(%run_scoped3A : memref<!tpu.dma_semaphore, #tpu.memory_space<semaphore_mem>>)
      %dma_wait3A_35 = tpu.memref_slice %arg4[%add3A_24] : memref<16384xf32, #tpu.memory_space<hbm>> -> memref<128xf32, #tpu.memory_space<hbm>>
      %dma_wait3A_36 = tpu.memref_slice %arg4[%add3A_24] : memref<16384xf32, #tpu.memory_space<hbm>> -> memref<128xf32, #tpu.memory_space<hbm>>
      tpu.wait_dma2 semaphore(%run_scoped3A : memref<!tpu.dma_semaphore, #tpu.memory_space<semaphore_mem>>) src(%arg10 : memref<128xf32, #tpu.memory_space<vmem>>) dst(%dma_wait3A_36 : memref<128xf32, #tpu.memory_space<hbm>>)
      tpu.yield
    }) : () -> ()
    %dma_wait3A_25 = arith.constant 0 : i32
    %dma_wait3A_26 = tpu.memref_slice %arg2[%dma_wait3A_25] : memref<28800xf32, #tpu.memory_space<hbm>> -> memref<28800xf32, #tpu.memory_space<hbm>>
    tpu.wait_indirect_dma semaphore(%arg15 : memref<!tpu.dma_semaphore, #tpu.memory_space<semaphore_mem>>) src(%dma_wait3A_26 : memref<28800xf32, #tpu.memory_space<hbm>>) dst(%arg11 : memref<128xf32, #tpu.memory_space<vmem>>)
    %add3A_27 = arith.constant 256 : i32
    %add3A_28 = arith.addi %mul3A_2, %add3A_27 : i32
    "tpu.region"() ({
      %run_scoped3A = tpu.sem_alloc : memref<!tpu.dma_semaphore, #tpu.memory_space<semaphore_mem>>
      %dma_start3A_33 = tpu.memref_slice %arg4[%add3A_28] : memref<16384xf32, #tpu.memory_space<hbm>> -> memref<128xf32, #tpu.memory_space<hbm>>
      %dma_start3A_34 = tpu.memref_slice %arg4[%add3A_28] : memref<16384xf32, #tpu.memory_space<hbm>> -> memref<128xf32, #tpu.memory_space<hbm>>
      tpu.enqueue_dma source(%arg11 : memref<128xf32, #tpu.memory_space<vmem>>) target(%dma_start3A_34 : memref<128xf32, #tpu.memory_space<hbm>>) target_semaphore(%run_scoped3A : memref<!tpu.dma_semaphore, #tpu.memory_space<semaphore_mem>>)
      %dma_wait3A_35 = tpu.memref_slice %arg4[%add3A_28] : memref<16384xf32, #tpu.memory_space<hbm>> -> memref<128xf32, #tpu.memory_space<hbm>>
      %dma_wait3A_36 = tpu.memref_slice %arg4[%add3A_28] : memref<16384xf32, #tpu.memory_space<hbm>> -> memref<128xf32, #tpu.memory_space<hbm>>
      tpu.wait_dma2 semaphore(%run_scoped3A : memref<!tpu.dma_semaphore, #tpu.memory_space<semaphore_mem>>) src(%arg11 : memref<128xf32, #tpu.memory_space<vmem>>) dst(%dma_wait3A_36 : memref<128xf32, #tpu.memory_space<hbm>>)
      tpu.yield
    }) : () -> ()
    %dma_wait3A_29 = arith.constant 0 : i32
    %dma_wait3A_30 = tpu.memref_slice %arg2[%dma_wait3A_29] : memref<28800xf32, #tpu.memory_space<hbm>> -> memref<28800xf32, #tpu.memory_space<hbm>>
    tpu.wait_indirect_dma semaphore(%arg16 : memref<!tpu.dma_semaphore, #tpu.memory_space<semaphore_mem>>) src(%dma_wait3A_30 : memref<28800xf32, #tpu.memory_space<hbm>>) dst(%arg12 : memref<128xf32, #tpu.memory_space<vmem>>)
    %add3A_31 = arith.constant 384 : i32
    %add3A_32 = arith.addi %mul3A_2, %add3A_31 : i32
    "tpu.region"() ({
      %run_scoped3A = tpu.sem_alloc : memref<!tpu.dma_semaphore, #tpu.memory_space<semaphore_mem>>
      %dma_start3A_33 = tpu.memref_slice %arg4[%add3A_32] : memref<16384xf32, #tpu.memory_space<hbm>> -> memref<128xf32, #tpu.memory_space<hbm>>
      %dma_start3A_34 = tpu.memref_slice %arg4[%add3A_32] : memref<16384xf32, #tpu.memory_space<hbm>> -> memref<128xf32, #tpu.memory_space<hbm>>
      tpu.enqueue_dma source(%arg12 : memref<128xf32, #tpu.memory_space<vmem>>) target(%dma_start3A_34 : memref<128xf32, #tpu.memory_space<hbm>>) target_semaphore(%run_scoped3A : memref<!tpu.dma_semaphore, #tpu.memory_space<semaphore_mem>>)
      %dma_wait3A_35 = tpu.memref_slice %arg4[%add3A_32] : memref<16384xf32, #tpu.memory_space<hbm>> -> memref<128xf32, #tpu.memory_space<hbm>>
      %dma_wait3A_36 = tpu.memref_slice %arg4[%add3A_32] : memref<16384xf32, #tpu.memory_space<hbm>> -> memref<128xf32, #tpu.memory_space<hbm>>
      tpu.wait_dma2 semaphore(%run_scoped3A : memref<!tpu.dma_semaphore, #tpu.memory_space<semaphore_mem>>) src(%arg12 : memref<128xf32, #tpu.memory_space<vmem>>) dst(%dma_wait3A_36 : memref<128xf32, #tpu.memory_space<hbm>>)
      tpu.yield
    }) : () -> ()
    return
  }
}

module attributes {stable_mosaic.version = 14 : i64} {
  func.func @_probs_kernel(%arg0: memref<4x64x64xf32, #tpu.memory_space<vmem>>, %arg1: memref<1x64xf32, #tpu.memory_space<vmem>>, %arg2: memref<1x64xf32, #tpu.memory_space<vmem>>, %arg3: memref<7200x4xf32, #tpu.memory_space<vmem>>) attributes {dimension_semantics = [], scalar_prefetch = 0 : i64, scratch_operands = 0 : i64, tpu.core_type = #tpu.core_type<tc>} {
    %get3A = arith.constant 0 : index
    %get3A_0 = arith.constant 0 : index
    %get3A_1 = arith.constant 0 : index
    %get3A_2 = vector.load %arg0[%get3A, %get3A_0, %get3A_1] : memref<4x64x64xf32, #tpu.memory_space<vmem>>, vector<4x64x64xf32>
    %get3A_3 = arith.constant 0 : index
    %get3A_4 = arith.constant 0 : index
    %get3A_5 = vector.load %arg1[%get3A_3, %get3A_4] : memref<1x64xf32, #tpu.memory_space<vmem>>, vector<1x64xf32>
    %get3A_6 = arith.constant 0 : index
    %get3A_7 = arith.constant 0 : index
    %get3A_8 = vector.load %arg2[%get3A_6, %get3A_7] : memref<1x64xf32, #tpu.memory_space<vmem>>, vector<1x64xf32>
    %exp3A = math.exp %get3A_2 : vector<4x64x64xf32>
    %slice3A = vector.extract_strided_slice %exp3A {offsets = [3, 0, 0], sizes = [1, 64, 64], strides = [1, 1, 1]} : vector<4x64x64xf32> to vector<1x64x64xf32>
    %squeeze3A = vector.shape_cast %slice3A : vector<1x64x64xf32> to vector<64x64xf32>
    %transpose3A = tpu.transpose %squeeze3A, [1, 0] : vector<64x64xf32> -> vector<64x64xf32>
    %slice3A_9 = vector.extract_strided_slice %exp3A {offsets = [2, 0, 0], sizes = [1, 64, 64], strides = [1, 1, 1]} : vector<4x64x64xf32> to vector<1x64x64xf32>
    %squeeze3A_10 = vector.shape_cast %slice3A_9 : vector<1x64x64xf32> to vector<64x64xf32>
    %transpose3A_11 = tpu.transpose %squeeze3A_10, [1, 0] : vector<64x64xf32> -> vector<64x64xf32>
    %slice3A_12 = vector.extract_strided_slice %exp3A {offsets = [1, 0, 0], sizes = [1, 64, 64], strides = [1, 1, 1]} : vector<4x64x64xf32> to vector<1x64x64xf32>
    %squeeze3A_13 = vector.shape_cast %slice3A_12 : vector<1x64x64xf32> to vector<64x64xf32>
    %transpose3A_14 = tpu.transpose %squeeze3A_13, [1, 0] : vector<64x64xf32> -> vector<64x64xf32>
    %slice3A_15 = vector.extract_strided_slice %exp3A {offsets = [0, 0, 0], sizes = [1, 64, 64], strides = [1, 1, 1]} : vector<4x64x64xf32> to vector<1x64x64xf32>
    %squeeze3A_16 = vector.shape_cast %slice3A_15 : vector<1x64x64xf32> to vector<64x64xf32>
    %transpose3A_17 = tpu.transpose %squeeze3A_16, [1, 0] : vector<64x64xf32> -> vector<64x64xf32>
    %exp3A_18 = math.exp %get3A_5 : vector<1x64xf32>
    %transpose3A_19 = tpu.transpose %exp3A_18, [1, 0] : vector<1x64xf32> -> vector<64x1xf32>
    %dot_general3A = arith.constant dense<0.000000e+00> : vector<64x1xf32>
    %dot_general3A_20 = tpu.matmul %transpose3A, %transpose3A_19, %dot_general3A {dimension_numbers = #tpu.dot_dimension_numbers<[1], [0], [0], [1], [0, 0, 1, 1], [], []>, transpose_lhs_hint = false} : vector<64x64xf32>, vector<64x1xf32>, vector<64x1xf32> -> vector<64x1xf32>
    %transpose3A_21 = tpu.transpose %exp3A_18, [1, 0] : vector<1x64xf32> -> vector<64x1xf32>
    %dot_general3A_22 = arith.constant dense<0.000000e+00> : vector<64x1xf32>
    %dot_general3A_23 = tpu.matmul %transpose3A_11, %transpose3A_21, %dot_general3A_22 {dimension_numbers = #tpu.dot_dimension_numbers<[1], [0], [0], [1], [0, 0, 1, 1], [], []>, transpose_lhs_hint = false} : vector<64x64xf32>, vector<64x1xf32>, vector<64x1xf32> -> vector<64x1xf32>
    %transpose3A_24 = tpu.transpose %exp3A_18, [1, 0] : vector<1x64xf32> -> vector<64x1xf32>
    %dot_general3A_25 = arith.constant dense<0.000000e+00> : vector<64x1xf32>
    %dot_general3A_26 = tpu.matmul %transpose3A_14, %transpose3A_24, %dot_general3A_25 {dimension_numbers = #tpu.dot_dimension_numbers<[1], [0], [0], [1], [0, 0, 1, 1], [], []>, transpose_lhs_hint = false} : vector<64x64xf32>, vector<64x1xf32>, vector<64x1xf32> -> vector<64x1xf32>
    %transpose3A_27 = tpu.transpose %exp3A_18, [1, 0] : vector<1x64xf32> -> vector<64x1xf32>
    %dot_general3A_28 = arith.constant dense<0.000000e+00> : vector<64x1xf32>
    %dot_general3A_29 = tpu.matmul %transpose3A_17, %transpose3A_27, %dot_general3A_28 {dimension_numbers = #tpu.dot_dimension_numbers<[1], [0], [0], [1], [0, 0, 1, 1], [], []>, transpose_lhs_hint = false} : vector<64x64xf32>, vector<64x1xf32>, vector<64x1xf32> -> vector<64x1xf32>
    %concatenate3A = tpu.concatenate %dot_general3A_20, %dot_general3A_23, %dot_general3A_26, %dot_general3A_29 in 1 : vector<64x1xf32>, vector<64x1xf32>, vector<64x1xf32>, vector<64x1xf32> -> vector<64x4xf32>
    %add3A = arith.addf %get3A_5, %get3A_8 : vector<1x64xf32>
    %reduce_max3A = vector.shape_cast %add3A : vector<1x64xf32> to vector<1x1x64xf32>
    %reduce_max3A_30 = arith.constant dense<0xFF800000> : vector<1xf32>
    %reduce_max3A_31 = vector.multi_reduction <maximumf>, %reduce_max3A, %reduce_max3A_30 [1, 2] : vector<1x1x64xf32> to vector<1xf32>
    %reduce_max3A_32 = vector.shape_cast %reduce_max3A_31 : vector<1xf32> to vector<1x1x1xf32>
    %reduce_max3A_33 = vector.extract %reduce_max3A_32[0, 0, 0] : f32 from vector<1x1x1xf32>
    %sub3A = vector.broadcast %reduce_max3A_33 : f32 to vector<1x64xf32>
    %sub3A_34 = arith.subf %add3A, %sub3A : vector<1x64xf32>
    %exp3A_35 = math.exp %sub3A_34 : vector<1x64xf32>
    %reduce_sum3A = vector.shape_cast %exp3A_35 : vector<1x64xf32> to vector<1x1x64xf32>
    %reduce_sum3A_36 = arith.constant dense<0.000000e+00> : vector<1xf32>
    %reduce_sum3A_37 = vector.multi_reduction <add>, %reduce_sum3A, %reduce_sum3A_36 [1, 2] : vector<1x1x64xf32> to vector<1xf32>
    %reduce_sum3A_38 = vector.shape_cast %reduce_sum3A_37 : vector<1xf32> to vector<1x1x1xf32>
    %reduce_sum3A_39 = vector.extract %reduce_sum3A_38[0, 0, 0] : f32 from vector<1x1x1xf32>
    %log3A = math.log %reduce_sum3A_39 : f32
    %add3A_40 = arith.addf %log3A, %reduce_max3A_33 : f32
    %broadcast_in_dim3A = vector.broadcast %add3A_40 : f32 to vector<1x4xf32>
    %swap3A = arith.constant 7193 : index
    %swap3A_41 = arith.constant 0 : index
    %swap3A_42 = vector.load %arg3[%swap3A, %swap3A_41] : memref<7200x4xf32, #tpu.memory_space<vmem>>, vector<1x4xf32>
    tpu.vector_store %arg3[%swap3A, %swap3A_41], %broadcast_in_dim3A {strides = array<i32>} : memref<7200x4xf32, #tpu.memory_space<vmem>>, vector<1x4xf32>,
    %reduce_max3A_43 = arith.constant dense<0xFF800000> : vector<1xf32>
    %reduce_max3A_44 = vector.multi_reduction <maximumf>, %get3A_8, %reduce_max3A_43 [1] : vector<1x64xf32> to vector<1xf32>
    %broadcast_in_dim3A_45 = vector.shape_cast %reduce_max3A_44 : vector<1xf32> to vector<1x1xf32>
    %sub3A_46 = vector.broadcast %broadcast_in_dim3A_45 : vector<1x1xf32> to vector<1x64xf32>
    %sub3A_47 = arith.subf %get3A_8, %sub3A_46 : vector<1x64xf32>
    %exp3A_48 = math.exp %sub3A_47 : vector<1x64xf32>
    %dot_general3A_49 = arith.constant dense<0.000000e+00> : vector<1x4xf32>
    %dot_general3A_50 = tpu.matmul %exp3A_48, %concatenate3A, %dot_general3A_49 {dimension_numbers = #tpu.dot_dimension_numbers<[1], [0], [0], [1], [0, 0, 1, 1], [], []>, transpose_lhs_hint = false} : vector<1x64xf32>, vector<64x4xf32>, vector<1x4xf32> -> vector<1x4xf32>
    %log3A_51 = math.log %dot_general3A_50 : vector<1x4xf32>
    %add3A_52 = vector.broadcast %broadcast_in_dim3A_45 : vector<1x1xf32> to vector<1x4xf32>
    %add3A_53 = arith.addf %log3A_51, %add3A_52 : vector<1x4xf32>
    %swap3A_54 = arith.constant 1 : index
    %swap3A_55 = arith.constant 0 : index
    %swap3A_56 = vector.load %arg3[%swap3A_54, %swap3A_55] : memref<7200x4xf32, #tpu.memory_space<vmem>>, vector<1x4xf32>
    tpu.vector_store %arg3[%swap3A_54, %swap3A_55], %add3A_53 {strides = array<i32>} : memref<7200x4xf32, #tpu.memory_space<vmem>>, vector<1x4xf32>,
    %dot_general3A_57 = arith.constant dense<0.000000e+00> : vector<1x64xf32>
    %dot_general3A_58 = tpu.matmul %exp3A_48, %transpose3A, %dot_general3A_57 {dimension_numbers = #tpu.dot_dimension_numbers<[1], [0], [0], [1], [0, 0, 1, 1], [], []>, transpose_lhs_hint = false} : vector<1x64xf32>, vector<64x64xf32>, vector<1x64xf32> -> vector<1x64xf32>
    %mul3A = arith.constant 2.560000e+02 : f32
    %mul3A_59 = vector.broadcast %mul3A : f32 to vector<1x64xf32>
    %mul3A_60 = arith.mulf %dot_general3A_58, %mul3A_59 : vector<1x64xf32>
    %sub3A_61 = arith.constant 5.54517746 : f32
    %sub3A_62 = vector.broadcast %sub3A_61 : f32 to vector<1x1xf32>
    %sub3A_63 = arith.subf %broadcast_in_dim3A_45, %sub3A_62 : vector<1x1xf32>
    %dot_general3A_64 = arith.constant dense<0.000000e+00> : vector<1x4xf32>
    %dot_general3A_65 = tpu.matmul %mul3A_60, %concatenate3A, %dot_general3A_64 {dimension_numbers = #tpu.dot_dimension_numbers<[1], [0], [0], [1], [0, 0, 1, 1], [], []>, transpose_lhs_hint = false} : vector<1x64xf32>, vector<64x4xf32>, vector<1x4xf32> -> vector<1x4xf32>
    %log3A_66 = math.log %dot_general3A_65 : vector<1x4xf32>
    %add3A_67 = vector.broadcast %sub3A_63 : vector<1x1xf32> to vector<1x4xf32>
    %add3A_68 = arith.addf %log3A_66, %add3A_67 : vector<1x4xf32>
    %swap3A_69 = arith.constant 2 : index
    %swap3A_70 = arith.constant 0 : index
    %swap3A_71 = vector.load %arg3[%swap3A_69, %swap3A_70] : memref<7200x4xf32, #tpu.memory_space<vmem>>, vector<1x4xf32>
    tpu.vector_store %arg3[%swap3A_69, %swap3A_70], %add3A_68 {strides = array<i32>} : memref<7200x4xf32, #tpu.memory_space<vmem>>, vector<1x4xf32>,
    %dot_general3A_72 = arith.constant dense<0.000000e+00> : vector<1x64xf32>
    %dot_general3A_73 = tpu.matmul %mul3A_60, %transpose3A, %dot_general3A_72 {dimension_numbers = #tpu.dot_dimension_numbers<[1], [0], [0], [1], [0, 0, 1, 1], [], []>, transpose_lhs_hint = false} : vector<1x64xf32>, vector<64x64xf32>, vector<1x64xf32> -> vector<1x64xf32>
    %mul3A_74 = arith.constant 2.560000e+02 : f32
    %mul3A_75 = vector.broadcast %mul3A_74 : f32 to vector<1x64xf32>
    %mul3A_76 = arith.mulf %dot_general3A_73, %mul3A_75 : vector<1x64xf32>
    %sub3A_77 = arith.constant 5.54517746 : f32
    %sub3A_78 = vector.broadcast %sub3A_77 : f32 to vector<1x1xf32>
    %sub3A_79 = arith.subf %sub3A_63, %sub3A_78 : vector<1x1xf32>
    %dot_general3A_80 = arith.constant dense<0.000000e+00> : vector<1x4xf32>
    %dot_general3A_81 = tpu.matmul %mul3A_76, %concatenate3A, %dot_general3A_80 {dimension_numbers = #tpu.dot_dimension_numbers<[1], [0], [0], [1], [0, 0, 1, 1], [], []>, transpose_lhs_hint = false} : vector<1x64xf32>, vector<64x4xf32>, vector<1x4xf32> -> vector<1x4xf32>
    %log3A_82 = math.log %dot_general3A_81 : vector<1x4xf32>
    %add3A_83 = vector.broadcast %sub3A_79 : vector<1x1xf32> to vector<1x4xf32>
    %add3A_84 = arith.addf %log3A_82, %add3A_83 : vector<1x4xf32>
    %swap3A_85 = arith.constant 3 : index
    %swap3A_86 = arith.constant 0 : index
    %swap3A_87 = vector.load %arg3[%swap3A_85, %swap3A_86] : memref<7200x4xf32, #tpu.memory_space<vmem>>, vector<1x4xf32>
    tpu.vector_store %arg3[%swap3A_85, %swap3A_86], %add3A_84 {strides = array<i32>} : memref<7200x4xf32, #tpu.memory_space<vmem>>, vector<1x4xf32>,
    %dot_general3A_88 = arith.constant dense<0.000000e+00> : vector<1x64xf32>
    %dot_general3A_89 = tpu.matmul %mul3A_76, %transpose3A, %dot_general3A_88 {dimension_numbers = #tpu.dot_dimension_numbers<[1], [0], [0], [1], [0, 0, 1, 1], [], []>, transpose_lhs_hint = false} : vector<1x64xf32>, vector<64x64xf32>, vector<1x64xf32> -> vector<1x64xf32>
    %mul3A_90 = arith.constant 2.560000e+02 : f32
    %mul3A_91 = vector.broadcast %mul3A_90 : f32 to vector<1x64xf32>
    %mul3A_92 = arith.mulf %dot_general3A_89, %mul3A_91 : vector<1x64xf32>
    %sub3A_93 = arith.constant 5.54517746 : f32
    %sub3A_94 = vector.broadcast %sub3A_93 : f32 to vector<1x1xf32>
    %sub3A_95 = arith.subf %sub3A_79, %sub3A_94 : vector<1x1xf32>
    %dot_general3A_96 = arith.constant dense<0.000000e+00> : vector<1x4xf32>
    %dot_general3A_97 = tpu.matmul %mul3A_92, %concatenate3A, %dot_general3A_96 {dimension_numbers = #tpu.dot_dimension_numbers<[1], [0], [0], [1], [0, 0, 1, 1], [], []>, transpose_lhs_hint = false} : vector<1x64xf32>, vector<64x4xf32>, vector<1x4xf32> -> vector<1x4xf32>
    %log3A_98 = math.log %dot_general3A_97 : vector<1x4xf32>
    %add3A_99 = vector.broadcast %sub3A_95 : vector<1x1xf32> to vector<1x4xf32>
    %add3A_100 = arith.addf %log3A_98, %add3A_99 : vector<1x4xf32>
    %swap3A_101 = arith.constant 4 : index
    %swap3A_102 = arith.constant 0 : index
    %swap3A_103 = vector.load %arg3[%swap3A_101, %swap3A_102] : memref<7200x4xf32, #tpu.memory_space<vmem>>, vector<1x4xf32>
    tpu.vector_store %arg3[%swap3A_101, %swap3A_102], %add3A_100 {strides = array<i32>} : memref<7200x4xf32, #tpu.memory_space<vmem>>, vector<1x4xf32>,
    %dot_general3A_104 = arith.constant dense<0.000000e+00> : vector<1x64xf32>
    %dot_general3A_105 = tpu.matmul %mul3A_92, %transpose3A, %dot_general3A_104 {dimension_numbers = #tpu.dot_dimension_numbers<[1], [0], [0], [1], [0, 0, 1, 1], [], []>, transpose_lhs_hint = false} : vector<1x64xf32>, vector<64x64xf32>, vector<1x64xf32> -> vector<1x64xf32>
    %mul3A_106 = arith.constant 2.560000e+02 : f32
    %mul3A_107 = vector.broadcast %mul3A_106 : f32 to vector<1x64xf32>
    %mul3A_108 = arith.mulf %dot_general3A_105, %mul3A_107 : vector<1x64xf32>
    %sub3A_109 = arith.constant 5.54517746 : f32
    %sub3A_110 = vector.broadcast %sub3A_109 : f32 to vector<1x1xf32>
    %sub3A_111 = arith.subf %sub3A_95, %sub3A_110 : vector<1x1xf32>
    %reduce_max3A_112 = arith.constant dense<0xFF800000> : vector<1xf32>
    %reduce_max3A_113 = vector.multi_reduction <maximumf>, %mul3A_108, %reduce_max3A_112 [1] : vector<1x64xf32> to vector<1xf32>
    %broadcast_in_dim3A_114 = vector.shape_cast %reduce_max3A_113 : vector<1xf32> to vector<1x1xf32>
    %div3A = vector.broadcast %broadcast_in_dim3A_114 : vector<1x1xf32> to vector<1x64xf32>
    %div3A_115 = arith.divf %mul3A_108, %div3A : vector<1x64xf32>
    %log3A_116 = math.log %broadcast_in_dim3A_114 : vector<1x1xf32>
    %add3A_117 = arith.addf %sub3A_111, %log3A_116 : vector<1x1xf32>
    %dot_general3A_118 = arith.constant dense<0.000000e+00> : vector<1x4xf32>
    %dot_general3A_119 = tpu.matmul %div3A_115, %concatenate3A, %dot_general3A_118 {dimension_numbers = #tpu.dot_dimension_numbers<[1], [0], [0], [1], [0, 0, 1, 1], [], []>, transpose_lhs_hint = false} : vector<1x64xf32>, vector<64x4xf32>, vector<1x4xf32> -> vector<1x4xf32>
    %log3A_120 = math.log %dot_general3A_119 : vector<1x4xf32>
    %add3A_121 = vector.broadcast %add3A_117 : vector<1x1xf32> to vector<1x4xf32>
    %add3A_122 = arith.addf %log3A_120, %add3A_121 : vector<1x4xf32>
    %swap3A_123 = arith.constant 5 : index
    %swap3A_124 = arith.constant 0 : index
    %swap3A_125 = vector.load %arg3[%swap3A_123, %swap3A_124] : memref<7200x4xf32, #tpu.memory_space<vmem>>, vector<1x4xf32>
    tpu.vector_store %arg3[%swap3A_123, %swap3A_124], %add3A_122 {strides = array<i32>} : memref<7200x4xf32, #tpu.memory_space<vmem>>, vector<1x4xf32>,
    %dot_general3A_126 = arith.constant dense<0.000000e+00> : vector<1x64xf32>
    %dot_general3A_127 = tpu.matmul %div3A_115, %transpose3A, %dot_general3A_126 {dimension_numbers = #tpu.dot_dimension_numbers<[1], [0], [0], [1], [0, 0, 1, 1], [], []>, transpose_lhs_hint = false} : vector<1x64xf32>, vector<64x64xf32>, vector<1x64xf32> -> vector<1x64xf32>
    %mul3A_128 = arith.constant 2.560000e+02 : f32
    %mul3A_129 = vector.broadcast %mul3A_128 : f32 to vector<1x64xf32>
    %mul3A_130 = arith.mulf %dot_general3A_127, %mul3A_129 : vector<1x64xf32>
    %sub3A_131 = arith.constant 5.54517746 : f32
    %sub3A_132 = vector.broadcast %sub3A_131 : f32 to vector<1x1xf32>
    %sub3A_133 = arith.subf %add3A_117, %sub3A_132 : vector<1x1xf32>
    %dot_general3A_134 = arith.constant dense<0.000000e+00> : vector<1x4xf32>
    %dot_general3A_135 = tpu.matmul %mul3A_130, %concatenate3A, %dot_general3A_134 {dimension_numbers = #tpu.dot_dimension_numbers<[1], [0], [0], [1], [0, 0, 1, 1], [], []>, transpose_lhs_hint = false} : vector<1x64xf32>, vector<64x4xf32>, vector<1x4xf32> -> vector<1x4xf32>
    %log3A_136 = math.log %dot_general3A_135 : vector<1x4xf32>
    %add3A_137 = vector.broadcast %sub3A_133 : vector<1x1xf32> to vector<1x4xf32>
    %add3A_138 = arith.addf %log3A_136, %add3A_137 : vector<1x4xf32>
    %swap3A_139 = arith.constant 6 : index
    %swap3A_140 = arith.constant 0 : index
    %swap3A_141 = vector.load %arg3[%swap3A_139, %swap3A_140] : memref<7200x4xf32, #tpu.memory_space<vmem>>, vector<1x4xf32>
    tpu.vector_store %arg3[%swap3A_139, %swap3A_140], %add3A_138 {strides = array<i32>} : memref<7200x4xf32, #tpu.memory_space<vmem>>, vector<1x4xf32>,
    %dot_general3A_142 = arith.constant dense<0.000000e+00> : vector<1x64xf32>
    %dot_general3A_143 = tpu.matmul %mul3A_130, %transpose3A, %dot_general3A_142 {dimension_numbers = #tpu.dot_dimension_numbers<[1], [0], [0], [1], [0, 0, 1, 1], [], []>, transpose_lhs_hint = false} : vector<1x64xf32>, vector<64x64xf32>, vector<1x64xf32> -> vector<1x64xf32>
    %mul3A_144 = arith.constant 2.560000e+02 : f32
    %mul3A_145 = vector.broadcast %mul3A_144 : f32 to vector<1x64xf32>
    %mul3A_146 = arith.mulf %dot_general3A_143, %mul3A_145 : vector<1x64xf32>
    %sub3A_147 = arith.constant 5.54517746 : f32
    %sub3A_148 = vector.broadcast %sub3A_147 : f32 to vector<1x1xf32>
    %sub3A_149 = arith.subf %sub3A_133, %sub3A_148 : vector<1x1xf32>
    %dot_general3A_150 = arith.constant dense<0.000000e+00> : vector<1x4xf32>
    %dot_general3A_151 = tpu.matmul %mul3A_146, %concatenate3A, %dot_general3A_150 {dimension_numbers = #tpu.dot_dimension_numbers<[1], [0], [0], [1], [0, 0, 1, 1], [], []>, transpose_lhs_hint = false} : vector<1x64xf32>, vector<64x4xf32>, vector<1x4xf32> -> vector<1x4xf32>
    %log3A_152 = math.log %dot_general3A_151 : vector<1x4xf32>
    %add3A_153 = vector.broadcast %sub3A_149 : vector<1x1xf32> to vector<1x4xf32>
    %add3A_154 = arith.addf %log3A_152, %add3A_153 : vector<1x4xf32>
    %swap3A_155 = arith.constant 7 : index
    %swap3A_156 = arith.constant 0 : index
    %swap3A_157 = vector.load %arg3[%swap3A_155, %swap3A_156] : memref<7200x4xf32, #tpu.memory_space<vmem>>, vector<1x4xf32>
    tpu.vector_store %arg3[%swap3A_155, %swap3A_156], %add3A_154 {strides = array<i32>} : memref<7200x4xf32, #tpu.memory_space<vmem>>, vector<1x4xf32>,
    %dot_general3A_158 = arith.constant dense<0.000000e+00> : vector<1x64xf32>
    %dot_general3A_159 = tpu.matmul %mul3A_146, %transpose3A, %dot_general3A_158 {dimension_numbers = #tpu.dot_dimension_numbers<[1], [0], [0], [1], [0, 0, 1, 1], [], []>, transpose_lhs_hint = false} : vector<1x64xf32>, vector<64x64xf32>, vector<1x64xf32> -> vector<1x64xf32>
    %mul3A_160 = arith.constant 2.560000e+02 : f32
    %mul3A_161 = vector.broadcast %mul3A_160 : f32 to vector<1x64xf32>
    %mul3A_162 = arith.mulf %dot_general3A_159, %mul3A_161 : vector<1x64xf32>
    %sub3A_163 = arith.constant 5.54517746 : f32
    %sub3A_164 = vector.broadcast %sub3A_163 : f32 to vector<1x1xf32>
    %sub3A_165 = arith.subf %sub3A_149, %sub3A_164 : vector<1x1xf32>
    %dot_general3A_166 = arith.constant dense<0.000000e+00> : vector<1x4xf32>
    %dot_general3A_167 = tpu.matmul %mul3A_162, %concatenate3A, %dot_general3A_166 {dimension_numbers = #tpu.dot_dimension_numbers<[1], [0], [0], [1], [0, 0, 1, 1], [], []>, transpose_lhs_hint = false} : vector<1x64xf32>, vector<64x4xf32>, vector<1x4xf32> -> vector<1x4xf32>
    %log3A_168 = math.log %dot_general3A_167 : vector<1x4xf32>
    %add3A_169 = vector.broadcast %sub3A_165 : vector<1x1xf32> to vector<1x4xf32>
    %add3A_170 = arith.addf %log3A_168, %add3A_169 : vector<1x4xf32>
    %swap3A_171 = arith.constant 8 : index
    %swap3A_172 = arith.constant 0 : index
    %swap3A_173 = vector.load %arg3[%swap3A_171, %swap3A_172] : memref<7200x4xf32, #tpu.memory_space<vmem>>, vector<1x4xf32>
    tpu.vector_store %arg3[%swap3A_171, %swap3A_172], %add3A_170 {strides = array<i32>} : memref<7200x4xf32, #tpu.memory_space<vmem>>, vector<1x4xf32>,
    %dot_general3A_174 = arith.constant dense<0.000000e+00> : vector<1x64xf32>
    %dot_general3A_175 = tpu.matmul %mul3A_162, %transpose3A, %dot_general3A_174 {dimension_numbers = #tpu.dot_dimension_numbers<[1], [0], [0], [1], [0, 0, 1, 1], [], []>, transpose_lhs_hint = false} : vector<1x64xf32>, vector<64x64xf32>, vector<1x64xf32> -> vector<1x64xf32>
    %mul3A_176 = arith.constant 2.560000e+02 : f32
    %mul3A_177 = vector.broadcast %mul3A_176 : f32 to vector<1x64xf32>
    %mul3A_178 = arith.mulf %dot_general3A_175, %mul3A_177 : vector<1x64xf32>
    %sub3A_179 = arith.constant 5.54517746 : f32
    %sub3A_180 = vector.broadcast %sub3A_179 : f32 to vector<1x1xf32>
    %sub3A_181 = arith.subf %sub3A_165, %sub3A_180 : vector<1x1xf32>
    %reduce_max3A_182 = arith.constant dense<0xFF800000> : vector<1xf32>
    %reduce_max3A_183 = vector.multi_reduction <maximumf>, %mul3A_178, %reduce_max3A_182 [1] : vector<1x64xf32> to vector<1xf32>
    %broadcast_in_dim3A_184 = vector.shape_cast %reduce_max3A_183 : vector<1xf32> to vector<1x1xf32>
    %div3A_185 = vector.broadcast %broadcast_in_dim3A_184 : vector<1x1xf32> to vector<1x64xf32>
    %div3A_186 = arith.divf %mul3A_178, %div3A_185 : vector<1x64xf32>
    %log3A_187 = math.log %broadcast_in_dim3A_184 : vector<1x1xf32>
    %add3A_188 = arith.addf %sub3A_181, %log3A_187 : vector<1x1xf32>
    %dot_general3A_189 = arith.constant dense<0.000000e+00> : vector<1x4xf32>
    %dot_general3A_190 = tpu.matmul %div3A_186, %concatenate3A, %dot_general3A_189 {dimension_numbers = #tpu.dot_dimension_numbers<[1], [0], [0], [1], [0, 0, 1, 1], [], []>, transpose_lhs_hint = false} : vector<1x64xf32>, vector<64x4xf32>, vector<1x4xf32> -> vector<1x4xf32>
    %log3A_191 = math.log %dot_general3A_190 : vector<1x4xf32>
    %add3A_192 = vector.broadcast %add3A_188 : vector<1x1xf32> to vector<1x4xf32>
    %add3A_193 = arith.addf %log3A_191, %add3A_192 : vector<1x4xf32>
    %swap3A_194 = arith.constant 9 : index
    %swap3A_195 = arith.constant 0 : index
    %swap3A_196 = vector.load %arg3[%swap3A_194, %swap3A_195] : memref<7200x4xf32, #tpu.memory_space<vmem>>, vector<1x4xf32>
    tpu.vector_store %arg3[%swap3A_194, %swap3A_195], %add3A_193 {strides = array<i32>} : memref<7200x4xf32, #tpu.memory_space<vmem>>, vector<1x4xf32>,
    %dot_general3A_197 = arith.constant dense<0.000000e+00> : vector<1x64xf32>
    %dot_general3A_198 = tpu.matmul %div3A_186, %transpose3A, %dot_general3A_197 {dimension_numbers = #tpu.dot_dimension_numbers<[1], [0], [0], [1], [0, 0, 1, 1], [], []>, transpose_lhs_hint = false} : vector<1x64xf32>, vector<64x64xf32>, vector<1x64xf32> -> vector<1x64xf32>
    %mul3A_199 = arith.constant 2.560000e+02 : f32
    %mul3A_200 = vector.broadcast %mul3A_199 : f32 to vector<1x64xf32>
    %mul3A_201 = arith.mulf %dot_general3A_198, %mul3A_200 : vector<1x64xf32>
    %sub3A_202 = arith.constant 5.54517746 : f32
    %sub3A_203 = vector.broadcast %sub3A_202 : f32 to vector<1x1xf32>
    %sub3A_204 = arith.subf %add3A_188, %sub3A_203 : vector<1x1xf32>
    %dot_general3A_205 = arith.constant dense<0.000000e+00> : vector<1x4xf32>
    %dot_general3A_206 = tpu.matmul %mul3A_201, %concatenate3A, %dot_general3A_205 {dimension_numbers = #tpu.dot_dimension_numbers<[1], [0], [0], [1], [0, 0, 1, 1], [], []>, transpose_lhs_hint = false} : vector<1x64xf32>, vector<64x4xf32>, vector<1x4xf32> -> vector<1x4xf32>
    %log3A_207 = math.log %dot_general3A_206 : vector<1x4xf32>
    %add3A_208 = vector.broadcast %sub3A_204 : vector<1x1xf32> to vector<1x4xf32>
    %add3A_209 = arith.addf %log3A_207, %add3A_208 : vector<1x4xf32>
    %swap3A_210 = arith.constant 10 : index
    %swap3A_211 = arith.constant 0 : index
    %swap3A_212 = vector.load %arg3[%swap3A_210, %swap3A_211] : memref<7200x4xf32, #tpu.memory_space<vmem>>, vector<1x4xf32>
    tpu.vector_store %arg3[%swap3A_210, %swap3A_211], %add3A_209 {strides = array<i32>} : memref<7200x4xf32, #tpu.memory_space<vmem>>, vector<1x4xf32>,
    %dot_general3A_213 = arith.constant dense<0.000000e+00> : vector<1x64xf32>
    %dot_general3A_214 = tpu.matmul %mul3A_201, %transpose3A, %dot_general3A_213 {dimension_numbers = #tpu.dot_dimension_numbers<[1], [0], [0], [1], [0, 0, 1, 1], [], []>, transpose_lhs_hint = false} : vector<1x64xf32>, vector<64x64xf32>, vector<1x64xf32> -> vector<1x64xf32>
    %mul3A_215 = arith.constant 2.560000e+02 : f32
    %mul3A_216 = vector.broadcast %mul3A_215 : f32 to vector<1x64xf32>
    %mul3A_217 = arith.mulf %dot_general3A_214, %mul3A_216 : vector<1x64xf32>
    %sub3A_218 = arith.constant 5.54517746 : f32
    %sub3A_219 = vector.broadcast %sub3A_218 : f32 to vector<1x1xf32>
    %sub3A_220 = arith.subf %sub3A_204, %sub3A_219 : vector<1x1xf32>
    %dot_general3A_221 = arith.constant dense<0.000000e+00> : vector<1x4xf32>
    %dot_general3A_222 = tpu.matmul %mul3A_217, %concatenate3A, %dot_general3A_221 {dimension_numbers = #tpu.dot_dimension_numbers<[1], [0], [0], [1], [0, 0, 1, 1], [], []>, transpose_lhs_hint = false} : vector<1x64xf32>, vector<64x4xf32>, vector<1x4xf32> -> vector<1x4xf32>
    %log3A_223 = math.log %dot_general3A_222 : vector<1x4xf32>
    %add3A_224 = vector.broadcast %sub3A_220 : vector<1x1xf32> to vector<1x4xf32>
    %add3A_225 = arith.addf %log3A_223, %add3A_224 : vector<1x4xf32>
    %swap3A_226 = arith.constant 11 : index
    %swap3A_227 = arith.constant 0 : index
    %swap3A_228 = vector.load %arg3[%swap3A_226, %swap3A_227] : memref<7200x4xf32, #tpu.memory_space<vmem>>, vector<1x4xf32>
    tpu.vector_store %arg3[%swap3A_226, %swap3A_227], %add3A_225 {strides = array<i32>} : memref<7200x4xf32, #tpu.memory_space<vmem>>, vector<1x4xf32>,
    %dot_general3A_229 = arith.constant dense<0.000000e+00> : vector<1x64xf32>
    %dot_general3A_230 = tpu.matmul %mul3A_217, %transpose3A, %dot_general3A_229 {dimension_numbers = #tpu.dot_dimension_numbers<[1], [0], [0], [1], [0, 0, 1, 1], [], []>, transpose_lhs_hint = false} : vector<1x64xf32>, vector<64x64xf32>, vector<1x64xf32> -> vector<1x64xf32>
    %mul3A_231 = arith.constant 2.560000e+02 : f32
    %mul3A_232 = vector.broadcast %mul3A_231 : f32 to vector<1x64xf32>
    %mul3A_233 = arith.mulf %dot_general3A_230, %mul3A_232 : vector<1x64xf32>
    %sub3A_234 = arith.constant 5.54517746 : f32
    %sub3A_235 = vector.broadcast %sub3A_234 : f32 to vector<1x1xf32>
    %sub3A_236 = arith.subf %sub3A_220, %sub3A_235 : vector<1x1xf32>
    %dot_general3A_237 = arith.constant dense<0.000000e+00> : vector<1x4xf32>
    %dot_general3A_238 = tpu.matmul %mul3A_233, %concatenate3A, %dot_general3A_237 {dimension_numbers = #tpu.dot_dimension_numbers<[1], [0], [0], [1], [0, 0, 1, 1], [], []>, transpose_lhs_hint = false} : vector<1x64xf32>, vector<64x4xf32>, vector<1x4xf32> -> vector<1x4xf32>
    %log3A_239 = math.log %dot_general3A_238 : vector<1x4xf32>
    %add3A_240 = vector.broadcast %sub3A_236 : vector<1x1xf32> to vector<1x4xf32>
    %add3A_241 = arith.addf %log3A_239, %add3A_240 : vector<1x4xf32>
    %swap3A_242 = arith.constant 12 : index
    %swap3A_243 = arith.constant 0 : index
    %swap3A_244 = vector.load %arg3[%swap3A_242, %swap3A_243] : memref<7200x4xf32, #tpu.memory_space<vmem>>, vector<1x4xf32>
    tpu.vector_store %arg3[%swap3A_242, %swap3A_243], %add3A_241 {strides = array<i32>} : memref<7200x4xf32, #tpu.memory_space<vmem>>, vector<1x4xf32>,
    %dot_general3A_245 = arith.constant dense<0.000000e+00> : vector<1x64xf32>
    %dot_general3A_246 = tpu.matmul %mul3A_233, %transpose3A, %dot_general3A_245 {dimension_numbers = #tpu.dot_dimension_numbers<[1], [0], [0], [1], [0, 0, 1, 1], [], []>, transpose_lhs_hint = false} : vector<1x64xf32>, vector<64x64xf32>, vector<1x64xf32> -> vector<1x64xf32>
    %mul3A_247 = arith.constant 2.560000e+02 : f32
    %mul3A_248 = vector.broadcast %mul3A_247 : f32 to vector<1x64xf32>
    %mul3A_249 = arith.mulf %dot_general3A_246, %mul3A_248 : vector<1x64xf32>
    %sub3A_250 = arith.constant 5.54517746 : f32
    %sub3A_251 = vector.broadcast %sub3A_250 : f32 to vector<1x1xf32>
    %sub3A_252 = arith.subf %sub3A_236, %sub3A_251 : vector<1x1xf32>
    %reduce_max3A_253 = arith.constant dense<0xFF800000> : vector<1xf32>
    %reduce_max3A_254 = vector.multi_reduction <maximumf>, %mul3A_249, %reduce_max3A_253 [1] : vector<1x64xf32> to vector<1xf32>
    %broadcast_in_dim3A_255 = vector.shape_cast %reduce_max3A_254 : vector<1xf32> to vector<1x1xf32>
    %div3A_256 = vector.broadcast %broadcast_in_dim3A_255 : vector<1x1xf32> to vector<1x64xf32>
    %div3A_257 = arith.divf %mul3A_249, %div3A_256 : vector<1x64xf32>
    %log3A_258 = math.log %broadcast_in_dim3A_255 : vector<1x1xf32>
    %add3A_259 = arith.addf %sub3A_252, %log3A_258 : vector<1x1xf32>
    %dot_general3A_260 = arith.constant dense<0.000000e+00> : vector<1x4xf32>
    %dot_general3A_261 = tpu.matmul %div3A_257, %concatenate3A, %dot_general3A_260 {dimension_numbers = #tpu.dot_dimension_numbers<[1], [0], [0], [1], [0, 0, 1, 1], [], []>, transpose_lhs_hint = false} : vector<1x64xf32>, vector<64x4xf32>, vector<1x4xf32> -> vector<1x4xf32>
    %log3A_262 = math.log %dot_general3A_261 : vector<1x4xf32>
    %add3A_263 = vector.broadcast %add3A_259 : vector<1x1xf32> to vector<1x4xf32>
    %add3A_264 = arith.addf %log3A_262, %add3A_263 : vector<1x4xf32>
    %swap3A_265 = arith.constant 13 : index
    %swap3A_266 = arith.constant 0 : index
    %swap3A_267 = vector.load %arg3[%swap3A_265, %swap3A_266] : memref<7200x4xf32, #tpu.memory_space<vmem>>, vector<1x4xf32>
    tpu.vector_store %arg3[%swap3A_265, %swap3A_266], %add3A_264 {strides = array<i32>} : memref<7200x4xf32, #tpu.memory_space<vmem>>, vector<1x4xf32>,
    %dot_general3A_268 = arith.constant dense<0.000000e+00> : vector<1x64xf32>
    %dot_general3A_269 = tpu.matmul %div3A_257, %transpose3A, %dot_general3A_268 {dimension_numbers = #tpu.dot_dimension_numbers<[1], [0], [0], [1], [0, 0, 1, 1], [], []>, transpose_lhs_hint = false} : vector<1x64xf32>, vector<64x64xf32>, vector<1x64xf32> -> vector<1x64xf32>
    %mul3A_270 = arith.constant 2.560000e+02 : f32
    %mul3A_271 = vector.broadcast %mul3A_270 : f32 to vector<1x64xf32>
    %mul3A_272 = arith.mulf %dot_general3A_269, %mul3A_271 : vector<1x64xf32>
    %sub3A_273 = arith.constant 5.54517746 : f32
    %sub3A_274 = vector.broadcast %sub3A_273 : f32 to vector<1x1xf32>
    %sub3A_275 = arith.subf %add3A_259, %sub3A_274 : vector<1x1xf32>
    %dot_general3A_276 = arith.constant dense<0.000000e+00> : vector<1x4xf32>
    %dot_general3A_277 = tpu.matmul %mul3A_272, %concatenate3A, %dot_general3A_276 {dimension_numbers = #tpu.dot_dimension_numbers<[1], [0], [0], [1], [0, 0, 1, 1], [], []>, transpose_lhs_hint = false} : vector<1x64xf32>, vector<64x4xf32>, vector<1x4xf32> -> vector<1x4xf32>
    %log3A_278 = math.log %dot_general3A_277 : vector<1x4xf32>
    %add3A_279 = vector.broadcast %sub3A_275 : vector<1x1xf32> to vector<1x4xf32>
    %add3A_280 = arith.addf %log3A_278, %add3A_279 : vector<1x4xf32>
    %swap3A_281 = arith.constant 14 : index
    %swap3A_282 = arith.constant 0 : index
    %swap3A_283 = vector.load %arg3[%swap3A_281, %swap3A_282] : memref<7200x4xf32, #tpu.memory_space<vmem>>, vector<1x4xf32>
    tpu.vector_store %arg3[%swap3A_281, %swap3A_282], %add3A_280 {strides = array<i32>} : memref<7200x4xf32, #tpu.memory_space<vmem>>, vector<1x4xf32>,
    %dot_general3A_284 = arith.constant dense<0.000000e+00> : vector<1x64xf32>
    %dot_general3A_285 = tpu.matmul %mul3A_272, %transpose3A, %dot_general3A_284 {dimension_numbers = #tpu.dot_dimension_numbers<[1], [0], [0], [1], [0, 0, 1, 1], [], []>, transpose_lhs_hint = false} : vector<1x64xf32>, vector<64x64xf32>, vector<1x64xf32> -> vector<1x64xf32>
    %mul3A_286 = arith.constant 2.560000e+02 : f32
    %mul3A_287 = vector.broadcast %mul3A_286 : f32 to vector<1x64xf32>
    %mul3A_288 = arith.mulf %dot_general3A_285, %mul3A_287 : vector<1x64xf32>
    %sub3A_289 = arith.constant 5.54517746 : f32
    %sub3A_290 = vector.broadcast %sub3A_289 : f32 to vector<1x1xf32>
    %sub3A_291 = arith.subf %sub3A_275, %sub3A_290 : vector<1x1xf32>
    %dot_general3A_292 = arith.constant dense<0.000000e+00> : vector<1x4xf32>
    %dot_general3A_293 = tpu.matmul %mul3A_288, %concatenate3A, %dot_general3A_292 {dimension_numbers = #tpu.dot_dimension_numbers<[1], [0], [0], [1], [0, 0, 1, 1], [], []>, transpose_lhs_hint = false} : vector<1x64xf32>, vector<64x4xf32>, vector<1x4xf32> -> vector<1x4xf32>
    %log3A_294 = math.log %dot_general3A_293 : vector<1x4xf32>
    %add3A_295 = vector.broadcast %sub3A_291 : vector<1x1xf32> to vector<1x4xf32>
    %add3A_296 = arith.addf %log3A_294, %add3A_295 : vector<1x4xf32>
    %swap3A_297 = arith.constant 15 : index
    %swap3A_298 = arith.constant 0 : index
    %swap3A_299 = vector.load %arg3[%swap3A_297, %swap3A_298] : memref<7200x4xf32, #tpu.memory_space<vmem>>, vector<1x4xf32>
    tpu.vector_store %arg3[%swap3A_297, %swap3A_298], %add3A_296 {strides = array<i32>} : memref<7200x4xf32, #tpu.memory_space<vmem>>, vector<1x4xf32>,
    %dot_general3A_300 = arith.constant dense<0.000000e+00> : vector<1x64xf32>
    %dot_general3A_301 = tpu.matmul %mul3A_288, %transpose3A, %dot_general3A_300 {dimension_numbers = #tpu.dot_dimension_numbers<[1], [0], [0], [1], [0, 0, 1, 1], [], []>, transpose_lhs_hint = false} : vector<1x64xf32>, vector<64x64xf32>, vector<1x64xf32> -> vector<1x64xf32>
    %mul3A_302 = arith.constant 2.560000e+02 : f32
    %mul3A_303 = vector.broadcast %mul3A_302 : f32 to vector<1x64xf32>
    %mul3A_304 = arith.mulf %dot_general3A_301, %mul3A_303 : vector<1x64xf32>
    %sub3A_305 = arith.constant 5.54517746 : f32
    %sub3A_306 = vector.broadcast %sub3A_305 : f32 to vector<1x1xf32>
    %sub3A_307 = arith.subf %sub3A_291, %sub3A_306 : vector<1x1xf32>
    %dot_general3A_308 = arith.constant dense<0.000000e+00> : vector<1x4xf32>
    %dot_general3A_309 = tpu.matmul %mul3A_304, %concatenate3A, %dot_general3A_308 {dimension_numbers = #tpu.dot_dimension_numbers<[1], [0], [0], [1], [0, 0, 1, 1], [], []>, transpose_lhs_hint = false} : vector<1x64xf32>, vector<64x4xf32>, vector<1x4xf32> -> vector<1x4xf32>
    %log3A_310 = math.log %dot_general3A_309 : vector<1x4xf32>
    %add3A_311 = vector.broadcast %sub3A_307 : vector<1x1xf32> to vector<1x4xf32>
    %add3A_312 = arith.addf %log3A_310, %add3A_311 : vector<1x4xf32>
    %swap3A_313 = arith.constant 16 : index
    %swap3A_314 = arith.constant 0 : index
    %swap3A_315 = vector.load %arg3[%swap3A_313, %swap3A_314] : memref<7200x4xf32, #tpu.memory_space<vmem>>, vector<1x4xf32>
    tpu.vector_store %arg3[%swap3A_313, %swap3A_314], %add3A_312 {strides = array<i32>} : memref<7200x4xf32, #tpu.memory_space<vmem>>, vector<1x4xf32>,
    %dot_general3A_316 = arith.constant dense<0.000000e+00> : vector<1x64xf32>
    %dot_general3A_317 = tpu.matmul %mul3A_304, %transpose3A, %dot_general3A_316 {dimension_numbers = #tpu.dot_dimension_numbers<[1], [0], [0], [1], [0, 0, 1, 1], [], []>, transpose_lhs_hint = false} : vector<1x64xf32>, vector<64x64xf32>, vector<1x64xf32> -> vector<1x64xf32>
    %mul3A_318 = arith.constant 2.560000e+02 : f32
    %mul3A_319 = vector.broadcast %mul3A_318 : f32 to vector<1x64xf32>
    %mul3A_320 = arith.mulf %dot_general3A_317, %mul3A_319 : vector<1x64xf32>
    %sub3A_321 = arith.constant 5.54517746 : f32
    %sub3A_322 = vector.broadcast %sub3A_321 : f32 to vector<1x1xf32>
    %sub3A_323 = arith.subf %sub3A_307, %sub3A_322 : vector<1x1xf32>
    %reduce_max3A_324 = arith.constant dense<0xFF800000> : vector<1xf32>
    %reduce_max3A_325 = vector.multi_reduction <maximumf>, %mul3A_320, %reduce_max3A_324 [1] : vector<1x64xf32> to vector<1xf32>
    %broadcast_in_dim3A_326 = vector.shape_cast %reduce_max3A_325 : vector<1xf32> to vector<1x1xf32>
    %div3A_327 = vector.broadcast %broadcast_in_dim3A_326 : vector<1x1xf32> to vector<1x64xf32>
    %div3A_328 = arith.divf %mul3A_320, %div3A_327 : vector<1x64xf32>
    %log3A_329 = math.log %broadcast_in_dim3A_326 : vector<1x1xf32>
    %add3A_330 = arith.addf %sub3A_323, %log3A_329 : vector<1x1xf32>
    %dot_general3A_331 = arith.constant dense<0.000000e+00> : vector<1x4xf32>
    %dot_general3A_332 = tpu.matmul %div3A_328, %concatenate3A, %dot_general3A_331 {dimension_numbers = #tpu.dot_dimension_numbers<[1], [0], [0], [1], [0, 0, 1, 1], [], []>, transpose_lhs_hint = false} : vector<1x64xf32>, vector<64x4xf32>, vector<1x4xf32> -> vector<1x4xf32>
    %log3A_333 = math.log %dot_general3A_332 : vector<1x4xf32>
    %add3A_334 = vector.broadcast %add3A_330 : vector<1x1xf32> to vector<1x4xf32>
    %add3A_335 = arith.addf %log3A_333, %add3A_334 : vector<1x4xf32>
    %swap3A_336 = arith.constant 17 : index
    %swap3A_337 = arith.constant 0 : index
    %swap3A_338 = vector.load %arg3[%swap3A_336, %swap3A_337] : memref<7200x4xf32, #tpu.memory_space<vmem>>, vector<1x4xf32>
    tpu.vector_store %arg3[%swap3A_336, %swap3A_337], %add3A_335 {strides = array<i32>} : memref<7200x4xf32, #tpu.memory_space<vmem>>, vector<1x4xf32>,
    %dot_general3A_339 = arith.constant dense<0.000000e+00> : vector<1x64xf32>
    %dot_general3A_340 = tpu.matmul %div3A_328, %transpose3A, %dot_general3A_339 {dimension_numbers = #tpu.dot_dimension_numbers<[1], [0], [0], [1], [0, 0, 1, 1], [], []>, transpose_lhs_hint = false} : vector<1x64xf32>, vector<64x64xf32>, vector<1x64xf32> -> vector<1x64xf32>
    %mul3A_341 = arith.constant 2.560000e+02 : f32
    %mul3A_342 = vector.broadcast %mul3A_341 : f32 to vector<1x64xf32>
    %mul3A_343 = arith.mulf %dot_general3A_340, %mul3A_342 : vector<1x64xf32>
    %sub3A_344 = arith.constant 5.54517746 : f32
    %sub3A_345 = vector.broadcast %sub3A_344 : f32 to vector<1x1xf32>
    %sub3A_346 = arith.subf %add3A_330, %sub3A_345 : vector<1x1xf32>
    %dot_general3A_347 = arith.constant dense<0.000000e+00> : vector<1x4xf32>
    %dot_general3A_348 = tpu.matmul %mul3A_343, %concatenate3A, %dot_general3A_347 {dimension_numbers = #tpu.dot_dimension_numbers<[1], [0], [0], [1], [0, 0, 1, 1], [], []>, transpose_lhs_hint = false} : vector<1x64xf32>, vector<64x4xf32>, vector<1x4xf32> -> vector<1x4xf32>
    %log3A_349 = math.log %dot_general3A_348 : vector<1x4xf32>
    %add3A_350 = vector.broadcast %sub3A_346 : vector<1x1xf32> to vector<1x4xf32>
    %add3A_351 = arith.addf %log3A_349, %add3A_350 : vector<1x4xf32>
    %swap3A_352 = arith.constant 18 : index
    %swap3A_353 = arith.constant 0 : index
    %swap3A_354 = vector.load %arg3[%swap3A_352, %swap3A_353] : memref<7200x4xf32, #tpu.memory_space<vmem>>, vector<1x4xf32>
    tpu.vector_store %arg3[%swap3A_352, %swap3A_353], %add3A_351 {strides = array<i32>} : memref<7200x4xf32, #tpu.memory_space<vmem>>, vector<1x4xf32>,
    %dot_general3A_355 = arith.constant dense<0.000000e+00> : vector<1x64xf32>
    %dot_general3A_356 = tpu.matmul %mul3A_343, %transpose3A, %dot_general3A_355 {dimension_numbers = #tpu.dot_dimension_numbers<[1], [0], [0], [1], [0, 0, 1, 1], [], []>, transpose_lhs_hint = false} : vector<1x64xf32>, vector<64x64xf32>, vector<1x64xf32> -> vector<1x64xf32>
    %mul3A_357 = arith.constant 2.560000e+02 : f32
    %mul3A_358 = vector.broadcast %mul3A_357 : f32 to vector<1x64xf32>
    %mul3A_359 = arith.mulf %dot_general3A_356, %mul3A_358 : vector<1x64xf32>
    %sub3A_360 = arith.constant 5.54517746 : f32
    %sub3A_361 = vector.broadcast %sub3A_360 : f32 to vector<1x1xf32>
    %sub3A_362 = arith.subf %sub3A_346, %sub3A_361 : vector<1x1xf32>
    %dot_general3A_363 = arith.constant dense<0.000000e+00> : vector<1x4xf32>
    %dot_general3A_364 = tpu.matmul %mul3A_359, %concatenate3A, %dot_general3A_363 {dimension_numbers = #tpu.dot_dimension_numbers<[1], [0], [0], [1], [0, 0, 1, 1], [], []>, transpose_lhs_hint = false} : vector<1x64xf32>, vector<64x4xf32>, vector<1x4xf32> -> vector<1x4xf32>
    %log3A_365 = math.log %dot_general3A_364 : vector<1x4xf32>
    %add3A_366 = vector.broadcast %sub3A_362 : vector<1x1xf32> to vector<1x4xf32>
    %add3A_367 = arith.addf %log3A_365, %add3A_366 : vector<1x4xf32>
    %swap3A_368 = arith.constant 19 : index
    %swap3A_369 = arith.constant 0 : index
    %swap3A_370 = vector.load %arg3[%swap3A_368, %swap3A_369] : memref<7200x4xf32, #tpu.memory_space<vmem>>, vector<1x4xf32>
    tpu.vector_store %arg3[%swap3A_368, %swap3A_369], %add3A_367 {strides = array<i32>} : memref<7200x4xf32, #tpu.memory_space<vmem>>, vector<1x4xf32>,
    %dot_general3A_371 = arith.constant dense<0.000000e+00> : vector<1x64xf32>
    %dot_general3A_372 = tpu.matmul %mul3A_359, %transpose3A, %dot_general3A_371 {dimension_numbers = #tpu.dot_dimension_numbers<[1], [0], [0], [1], [0, 0, 1, 1], [], []>, transpose_lhs_hint = false} : vector<1x64xf32>, vector<64x64xf32>, vector<1x64xf32> -> vector<1x64xf32>
    %mul3A_373 = arith.constant 2.560000e+02 : f32
    %mul3A_374 = vector.broadcast %mul3A_373 : f32 to vector<1x64xf32>
    %mul3A_375 = arith.mulf %dot_general3A_372, %mul3A_374 : vector<1x64xf32>
    %sub3A_376 = arith.constant 5.54517746 : f32
    %sub3A_377 = vector.broadcast %sub3A_376 : f32 to vector<1x1xf32>
    %sub3A_378 = arith.subf %sub3A_362, %sub3A_377 : vector<1x1xf32>
    %dot_general3A_379 = arith.constant dense<0.000000e+00> : vector<1x4xf32>
    %dot_general3A_380 = tpu.matmul %mul3A_375, %concatenate3A, %dot_general3A_379 {dimension_numbers = #tpu.dot_dimension_numbers<[1], [0], [0], [1], [0, 0, 1, 1], [], []>, transpose_lhs_hint = false} : vector<1x64xf32>, vector<64x4xf32>, vector<1x4xf32> -> vector<1x4xf32>
    %log3A_381 = math.log %dot_general3A_380 : vector<1x4xf32>
    %add3A_382 = vector.broadcast %sub3A_378 : vector<1x1xf32> to vector<1x4xf32>
    %add3A_383 = arith.addf %log3A_381, %add3A_382 : vector<1x4xf32>
    %swap3A_384 = arith.constant 20 : index
    %swap3A_385 = arith.constant 0 : index
    %swap3A_386 = vector.load %arg3[%swap3A_384, %swap3A_385] : memref<7200x4xf32, #tpu.memory_space<vmem>>, vector<1x4xf32>
    tpu.vector_store %arg3[%swap3A_384, %swap3A_385], %add3A_383 {strides = array<i32>} : memref<7200x4xf32, #tpu.memory_space<vmem>>, vector<1x4xf32>,
    %dot_general3A_387 = arith.constant dense<0.000000e+00> : vector<1x64xf32>
    %dot_general3A_388 = tpu.matmul %mul3A_375, %transpose3A, %dot_general3A_387 {dimension_numbers = #tpu.dot_dimension_numbers<[1], [0], [0], [1], [0, 0, 1, 1], [], []>, transpose_lhs_hint = false} : vector<1x64xf32>, vector<64x64xf32>, vector<1x64xf32> -> vector<1x64xf32>
    %mul3A_389 = arith.constant 2.560000e+02 : f32
    %mul3A_390 = vector.broadcast %mul3A_389 : f32 to vector<1x64xf32>
    %mul3A_391 = arith.mulf %dot_general3A_388, %mul3A_390 : vector<1x64xf32>
    %sub3A_392 = arith.constant 5.54517746 : f32
    %sub3A_393 = vector.broadcast %sub3A_392 : f32 to vector<1x1xf32>
    %sub3A_394 = arith.subf %sub3A_378, %sub3A_393 : vector<1x1xf32>
    %reduce_max3A_395 = arith.constant dense<0xFF800000> : vector<1xf32>
    %reduce_max3A_396 = vector.multi_reduction <maximumf>, %mul3A_391, %reduce_max3A_395 [1] : vector<1x64xf32> to vector<1xf32>
    %broadcast_in_dim3A_397 = vector.shape_cast %reduce_max3A_396 : vector<1xf32> to vector<1x1xf32>
    %div3A_398 = vector.broadcast %broadcast_in_dim3A_397 : vector<1x1xf32> to vector<1x64xf32>
    %div3A_399 = arith.divf %mul3A_391, %div3A_398 : vector<1x64xf32>
    %log3A_400 = math.log %broadcast_in_dim3A_397 : vector<1x1xf32>
    %add3A_401 = arith.addf %sub3A_394, %log3A_400 : vector<1x1xf32>
    %dot_general3A_402 = arith.constant dense<0.000000e+00> : vector<1x4xf32>
    %dot_general3A_403 = tpu.matmul %div3A_399, %concatenate3A, %dot_general3A_402 {dimension_numbers = #tpu.dot_dimension_numbers<[1], [0], [0], [1], [0, 0, 1, 1], [], []>, transpose_lhs_hint = false} : vector<1x64xf32>, vector<64x4xf32>, vector<1x4xf32> -> vector<1x4xf32>
    %log3A_404 = math.log %dot_general3A_403 : vector<1x4xf32>
    %add3A_405 = vector.broadcast %add3A_401 : vector<1x1xf32> to vector<1x4xf32>
    %add3A_406 = arith.addf %log3A_404, %add3A_405 : vector<1x4xf32>
    %swap3A_407 = arith.constant 21 : index
    %swap3A_408 = arith.constant 0 : index
    %swap3A_409 = vector.load %arg3[%swap3A_407, %swap3A_408] : memref<7200x4xf32, #tpu.memory_space<vmem>>, vector<1x4xf32>
    tpu.vector_store %arg3[%swap3A_407, %swap3A_408], %add3A_406 {strides = array<i32>} : memref<7200x4xf32, #tpu.memory_space<vmem>>, vector<1x4xf32>,
    %dot_general3A_410 = arith.constant dense<0.000000e+00> : vector<1x64xf32>
    %dot_general3A_411 = tpu.matmul %div3A_399, %transpose3A, %dot_general3A_410 {dimension_numbers = #tpu.dot_dimension_numbers<[1], [0], [0], [1], [0, 0, 1, 1], [], []>, transpose_lhs_hint = false} : vector<1x64xf32>, vector<64x64xf32>, vector<1x64xf32> -> vector<1x64xf32>
    %mul3A_412 = arith.constant 2.560000e+02 : f32
    %mul3A_413 = vector.broadcast %mul3A_412 : f32 to vector<1x64xf32>
    %mul3A_414 = arith.mulf %dot_general3A_411, %mul3A_413 : vector<1x64xf32>
    %sub3A_415 = arith.constant 5.54517746 : f32
    %sub3A_416 = vector.broadcast %sub3A_415 : f32 to vector<1x1xf32>
    %sub3A_417 = arith.subf %add3A_401, %sub3A_416 : vector<1x1xf32>
    %dot_general3A_418 = arith.constant dense<0.000000e+00> : vector<1x4xf32>
    %dot_general3A_419 = tpu.matmul %mul3A_414, %concatenate3A, %dot_general3A_418 {dimension_numbers = #tpu.dot_dimension_numbers<[1], [0], [0], [1], [0, 0, 1, 1], [], []>, transpose_lhs_hint = false} : vector<1x64xf32>, vector<64x4xf32>, vector<1x4xf32> -> vector<1x4xf32>
    %log3A_420 = math.log %dot_general3A_419 : vector<1x4xf32>
    %add3A_421 = vector.broadcast %sub3A_417 : vector<1x1xf32> to vector<1x4xf32>
    %add3A_422 = arith.addf %log3A_420, %add3A_421 : vector<1x4xf32>
    %swap3A_423 = arith.constant 22 : index
    %swap3A_424 = arith.constant 0 : index
    %swap3A_425 = vector.load %arg3[%swap3A_423, %swap3A_424] : memref<7200x4xf32, #tpu.memory_space<vmem>>, vector<1x4xf32>
    tpu.vector_store %arg3[%swap3A_423, %swap3A_424], %add3A_422 {strides = array<i32>} : memref<7200x4xf32, #tpu.memory_space<vmem>>, vector<1x4xf32>,
    %dot_general3A_426 = arith.constant dense<0.000000e+00> : vector<1x64xf32>
    %dot_general3A_427 = tpu.matmul %mul3A_414, %transpose3A, %dot_general3A_426 {dimension_numbers = #tpu.dot_dimension_numbers<[1], [0], [0], [1], [0, 0, 1, 1], [], []>, transpose_lhs_hint = false} : vector<1x64xf32>, vector<64x64xf32>, vector<1x64xf32> -> vector<1x64xf32>
    %mul3A_428 = arith.constant 2.560000e+02 : f32
    %mul3A_429 = vector.broadcast %mul3A_428 : f32 to vector<1x64xf32>
    %mul3A_430 = arith.mulf %dot_general3A_427, %mul3A_429 : vector<1x64xf32>
    %sub3A_431 = arith.constant 5.54517746 : f32
    %sub3A_432 = vector.broadcast %sub3A_431 : f32 to vector<1x1xf32>
    %sub3A_433 = arith.subf %sub3A_417, %sub3A_432 : vector<1x1xf32>
    %dot_general3A_434 = arith.constant dense<0.000000e+00> : vector<1x4xf32>
    %dot_general3A_435 = tpu.matmul %mul3A_430, %concatenate3A, %dot_general3A_434 {dimension_numbers = #tpu.dot_dimension_numbers<[1], [0], [0], [1], [0, 0, 1, 1], [], []>, transpose_lhs_hint = false} : vector<1x64xf32>, vector<64x4xf32>, vector<1x4xf32> -> vector<1x4xf32>
    %log3A_436 = math.log %dot_general3A_435 : vector<1x4xf32>
    %add3A_437 = vector.broadcast %sub3A_433 : vector<1x1xf32> to vector<1x4xf32>
    %add3A_438 = arith.addf %log3A_436, %add3A_437 : vector<1x4xf32>
    %swap3A_439 = arith.constant 23 : index
    %swap3A_440 = arith.constant 0 : index
    %swap3A_441 = vector.load %arg3[%swap3A_439, %swap3A_440] : memref<7200x4xf32, #tpu.memory_space<vmem>>, vector<1x4xf32>
    tpu.vector_store %arg3[%swap3A_439, %swap3A_440], %add3A_438 {strides = array<i32>} : memref<7200x4xf32, #tpu.memory_space<vmem>>, vector<1x4xf32>,
    %dot_general3A_442 = arith.constant dense<0.000000e+00> : vector<1x64xf32>
    %dot_general3A_443 = tpu.matmul %mul3A_430, %transpose3A, %dot_general3A_442 {dimension_numbers = #tpu.dot_dimension_numbers<[1], [0], [0], [1], [0, 0, 1, 1], [], []>, transpose_lhs_hint = false} : vector<1x64xf32>, vector<64x64xf32>, vector<1x64xf32> -> vector<1x64xf32>
    %mul3A_444 = arith.constant 2.560000e+02 : f32
    %mul3A_445 = vector.broadcast %mul3A_444 : f32 to vector<1x64xf32>
    %mul3A_446 = arith.mulf %dot_general3A_443, %mul3A_445 : vector<1x64xf32>
    %sub3A_447 = arith.constant 5.54517746 : f32
    %sub3A_448 = vector.broadcast %sub3A_447 : f32 to vector<1x1xf32>
    %sub3A_449 = arith.subf %sub3A_433, %sub3A_448 : vector<1x1xf32>
    %dot_general3A_450 = arith.constant dense<0.000000e+00> : vector<1x4xf32>
    %dot_general3A_451 = tpu.matmul %mul3A_446, %concatenate3A, %dot_general3A_450 {dimension_numbers = #tpu.dot_dimension_numbers<[1], [0], [0], [1], [0, 0, 1, 1], [], []>, transpose_lhs_hint = false} : vector<1x64xf32>, vector<64x4xf32>, vector<1x4xf32> -> vector<1x4xf32>
    %log3A_452 = math.log %dot_general3A_451 : vector<1x4xf32>
    %add3A_453 = vector.broadcast %sub3A_449 : vector<1x1xf32> to vector<1x4xf32>
    %add3A_454 = arith.addf %log3A_452, %add3A_453 : vector<1x4xf32>
    %swap3A_455 = arith.constant 24 : index
    %swap3A_456 = arith.constant 0 : index
    %swap3A_457 = vector.load %arg3[%swap3A_455, %swap3A_456] : memref<7200x4xf32, #tpu.memory_space<vmem>>, vector<1x4xf32>
    tpu.vector_store %arg3[%swap3A_455, %swap3A_456], %add3A_454 {strides = array<i32>} : memref<7200x4xf32, #tpu.memory_space<vmem>>, vector<1x4xf32>,
    %dot_general3A_458 = arith.constant dense<0.000000e+00> : vector<1x64xf32>
    %dot_general3A_459 = tpu.matmul %mul3A_446, %transpose3A, %dot_general3A_458 {dimension_numbers = #tpu.dot_dimension_numbers<[1], [0], [0], [1], [0, 0, 1, 1], [], []>, transpose_lhs_hint = false} : vector<1x64xf32>, vector<64x64xf32>, vector<1x64xf32> -> vector<1x64xf32>
    %mul3A_460 = arith.constant 2.560000e+02 : f32
    %mul3A_461 = vector.broadcast %mul3A_460 : f32 to vector<1x64xf32>
    %mul3A_462 = arith.mulf %dot_general3A_459, %mul3A_461 : vector<1x64xf32>
    %sub3A_463 = arith.constant 5.54517746 : f32
    %sub3A_464 = vector.broadcast %sub3A_463 : f32 to vector<1x1xf32>
    %sub3A_465 = arith.subf %sub3A_449, %sub3A_464 : vector<1x1xf32>
    %reduce_max3A_466 = arith.constant dense<0xFF800000> : vector<1xf32>
    %reduce_max3A_467 = vector.multi_reduction <maximumf>, %mul3A_462, %reduce_max3A_466 [1] : vector<1x64xf32> to vector<1xf32>
    %broadcast_in_dim3A_468 = vector.shape_cast %reduce_max3A_467 : vector<1xf32> to vector<1x1xf32>
    %div3A_469 = vector.broadcast %broadcast_in_dim3A_468 : vector<1x1xf32> to vector<1x64xf32>
    %div3A_470 = arith.divf %mul3A_462, %div3A_469 : vector<1x64xf32>
    %log3A_471 = math.log %broadcast_in_dim3A_468 : vector<1x1xf32>
    %add3A_472 = arith.addf %sub3A_465, %log3A_471 : vector<1x1xf32>
    %dot_general3A_473 = arith.constant dense<0.000000e+00> : vector<1x4xf32>
    %dot_general3A_474 = tpu.matmul %div3A_470, %concatenate3A, %dot_general3A_473 {dimension_numbers = #tpu.dot_dimension_numbers<[1], [0], [0], [1], [0, 0, 1, 1], [], []>, transpose_lhs_hint = false} : vector<1x64xf32>, vector<64x4xf32>, vector<1x4xf32> -> vector<1x4xf32>
    %log3A_475 = math.log %dot_general3A_474 : vector<1x4xf32>
    %add3A_476 = vector.broadcast %add3A_472 : vector<1x1xf32> to vector<1x4xf32>
    %add3A_477 = arith.addf %log3A_475, %add3A_476 : vector<1x4xf32>
    %swap3A_478 = arith.constant 25 : index
    %swap3A_479 = arith.constant 0 : index
    %swap3A_480 = vector.load %arg3[%swap3A_478, %swap3A_479] : memref<7200x4xf32, #tpu.memory_space<vmem>>, vector<1x4xf32>
    tpu.vector_store %arg3[%swap3A_478, %swap3A_479], %add3A_477 {strides = array<i32>} : memref<7200x4xf32, #tpu.memory_space<vmem>>, vector<1x4xf32>,
    %dot_general3A_481 = arith.constant dense<0.000000e+00> : vector<1x64xf32>
    %dot_general3A_482 = tpu.matmul %div3A_470, %transpose3A, %dot_general3A_481 {dimension_numbers = #tpu.dot_dimension_numbers<[1], [0], [0], [1], [0, 0, 1, 1], [], []>, transpose_lhs_hint = false} : vector<1x64xf32>, vector<64x64xf32>, vector<1x64xf32> -> vector<1x64xf32>
    %mul3A_483 = arith.constant 2.560000e+02 : f32
    %mul3A_484 = vector.broadcast %mul3A_483 : f32 to vector<1x64xf32>
    %mul3A_485 = arith.mulf %dot_general3A_482, %mul3A_484 : vector<1x64xf32>
    %sub3A_486 = arith.constant 5.54517746 : f32
    %sub3A_487 = vector.broadcast %sub3A_486 : f32 to vector<1x1xf32>
    %sub3A_488 = arith.subf %add3A_472, %sub3A_487 : vector<1x1xf32>
    %dot_general3A_489 = arith.constant dense<0.000000e+00> : vector<1x4xf32>
    %dot_general3A_490 = tpu.matmul %mul3A_485, %concatenate3A, %dot_general3A_489 {dimension_numbers = #tpu.dot_dimension_numbers<[1], [0], [0], [1], [0, 0, 1, 1], [], []>, transpose_lhs_hint = false} : vector<1x64xf32>, vector<64x4xf32>, vector<1x4xf32> -> vector<1x4xf32>
    %log3A_491 = math.log %dot_general3A_490 : vector<1x4xf32>
    %add3A_492 = vector.broadcast %sub3A_488 : vector<1x1xf32> to vector<1x4xf32>
    %add3A_493 = arith.addf %log3A_491, %add3A_492 : vector<1x4xf32>
    %swap3A_494 = arith.constant 26 : index
    %swap3A_495 = arith.constant 0 : index
    %swap3A_496 = vector.load %arg3[%swap3A_494, %swap3A_495] : memref<7200x4xf32, #tpu.memory_space<vmem>>, vector<1x4xf32>
    tpu.vector_store %arg3[%swap3A_494, %swap3A_495], %add3A_493 {strides = array<i32>} : memref<7200x4xf32, #tpu.memory_space<vmem>>, vector<1x4xf32>,
    %dot_general3A_497 = arith.constant dense<0.000000e+00> : vector<1x64xf32>
    %dot_general3A_498 = tpu.matmul %mul3A_485, %transpose3A, %dot_general3A_497 {dimension_numbers = #tpu.dot_dimension_numbers<[1], [0], [0], [1], [0, 0, 1, 1], [], []>, transpose_lhs_hint = false} : vector<1x64xf32>, vector<64x64xf32>, vector<1x64xf32> -> vector<1x64xf32>
    %mul3A_499 = arith.constant 2.560000e+02 : f32
    %mul3A_500 = vector.broadcast %mul3A_499 : f32 to vector<1x64xf32>
    %mul3A_501 = arith.mulf %dot_general3A_498, %mul3A_500 : vector<1x64xf32>
    %dot_general3A_502 = arith.constant dense<0.000000e+00> : vector<1x64xf32>
    %dot_general3A_503 = tpu.matmul %mul3A_485, %transpose3A_11, %dot_general3A_502 {dimension_numbers = #tpu.dot_dimension_numbers<[1], [0], [0], [1], [0, 0, 1, 1], [], []>, transpose_lhs_hint = false} : vector<1x64xf32>, vector<64x64xf32>, vector<1x64xf32> -> vector<1x64xf32>
    %mul3A_504 = arith.constant 2.560000e+02 : f32
    %mul3A_505 = vector.broadcast %mul3A_504 : f32 to vector<1x64xf32>
    %mul3A_506 = arith.mulf %dot_general3A_503, %mul3A_505 : vector<1x64xf32>
    %dot_general3A_507 = arith.constant dense<0.000000e+00> : vector<1x64xf32>
    %dot_general3A_508 = tpu.matmul %mul3A_485, %transpose3A_14, %dot_general3A_507 {dimension_numbers = #tpu.dot_dimension_numbers<[1], [0], [0], [1], [0, 0, 1, 1], [], []>, transpose_lhs_hint = false} : vector<1x64xf32>, vector<64x64xf32>, vector<1x64xf32> -> vector<1x64xf32>
    %mul3A_509 = arith.constant 2.560000e+02 : f32
    %mul3A_510 = vector.broadcast %mul3A_509 : f32 to vector<1x64xf32>
    %mul3A_511 = arith.mulf %dot_general3A_508, %mul3A_510 : vector<1x64xf32>
    %concatenate3A_512 = tpu.concatenate %mul3A_501, %mul3A_506, %mul3A_511 in 0 : vector<1x64xf32>, vector<1x64xf32>, vector<1x64xf32> -> vector<3x64xf32>
    %concatenate3A_513 = tpu.concatenate %sub3A_488, %sub3A_488, %sub3A_488 in 0 : vector<1x1xf32>, vector<1x1xf32>, vector<1x1xf32> -> vector<3x1xf32>
    %sub3A_514 = arith.constant 5.54517746 : f32
    %sub3A_515 = vector.broadcast %sub3A_514 : f32 to vector<3x1xf32>
    %sub3A_516 = arith.subf %concatenate3A_513, %sub3A_515 : vector<3x1xf32>
    %dot_general3A_517 = arith.constant dense<0.000000e+00> : vector<3x4xf32>
    %dot_general3A_518 = tpu.matmul %concatenate3A_512, %concatenate3A, %dot_general3A_517 {dimension_numbers = #tpu.dot_dimension_numbers<[1], [0], [0], [1], [0, 0, 1, 1], [], []>, transpose_lhs_hint = false} : vector<3x64xf32>, vector<64x4xf32>, vector<3x4xf32> -> vector<3x4xf32>
    %log3A_519 = math.log %dot_general3A_518 : vector<3x4xf32>
    %add3A_520 = vector.broadcast %sub3A_516 : vector<3x1xf32> to vector<3x4xf32>
    %add3A_521 = arith.addf %log3A_519, %add3A_520 : vector<3x4xf32>
    %swap3A_522 = arith.constant 29 : index
    %swap3A_523 = arith.constant 0 : index
    %swap3A_524 = vector.load %arg3[%swap3A_522, %swap3A_523] : memref<7200x4xf32, #tpu.memory_space<vmem>>, vector<3x4xf32>
    tpu.vector_store %arg3[%swap3A_522, %swap3A_523], %add3A_521 {strides = array<i32>} : memref<7200x4xf32, #tpu.memory_space<vmem>>, vector<3x4xf32>,
    %dot_general3A_525 = arith.constant dense<0.000000e+00> : vector<3x64xf32>
    %dot_general3A_526 = tpu.matmul %concatenate3A_512, %transpose3A, %dot_general3A_525 {dimension_numbers = #tpu.dot_dimension_numbers<[1], [0], [0], [1], [0, 0, 1, 1], [], []>, transpose_lhs_hint = false} : vector<3x64xf32>, vector<64x64xf32>, vector<3x64xf32> -> vector<3x64xf32>
    %mul3A_527 = arith.constant 2.560000e+02 : f32
    %mul3A_528 = vector.broadcast %mul3A_527 : f32 to vector<3x64xf32>
    %mul3A_529 = arith.mulf %dot_general3A_526, %mul3A_528 : vector<3x64xf32>
    %dot_general3A_530 = arith.constant dense<0.000000e+00> : vector<3x64xf32>
    %dot_general3A_531 = tpu.matmul %concatenate3A_512, %transpose3A_11, %dot_general3A_530 {dimension_numbers = #tpu.dot_dimension_numbers<[1], [0], [0], [1], [0, 0, 1, 1], [], []>, transpose_lhs_hint = false} : vector<3x64xf32>, vector<64x64xf32>, vector<3x64xf32> -> vector<3x64xf32>
    %mul3A_532 = arith.constant 2.560000e+02 : f32
    %mul3A_533 = vector.broadcast %mul3A_532 : f32 to vector<3x64xf32>
    %mul3A_534 = arith.mulf %dot_general3A_531, %mul3A_533 : vector<3x64xf32>
    %dot_general3A_535 = arith.constant dense<0.000000e+00> : vector<3x64xf32>
    %dot_general3A_536 = tpu.matmul %concatenate3A_512, %transpose3A_14, %dot_general3A_535 {dimension_numbers = #tpu.dot_dimension_numbers<[1], [0], [0], [1], [0, 0, 1, 1], [], []>, transpose_lhs_hint = false} : vector<3x64xf32>, vector<64x64xf32>, vector<3x64xf32> -> vector<3x64xf32>
    %mul3A_537 = arith.constant 2.560000e+02 : f32
    %mul3A_538 = vector.broadcast %mul3A_537 : f32 to vector<3x64xf32>
    %mul3A_539 = arith.mulf %dot_general3A_536, %mul3A_538 : vector<3x64xf32>
    %dot_general3A_540 = arith.constant dense<0.000000e+00> : vector<3x64xf32>
    %dot_general3A_541 = tpu.matmul %concatenate3A_512, %transpose3A_17, %dot_general3A_540 {dimension_numbers = #tpu.dot_dimension_numbers<[1], [0], [0], [1], [0, 0, 1, 1], [], []>, transpose_lhs_hint = false} : vector<3x64xf32>, vector<64x64xf32>, vector<3x64xf32> -> vector<3x64xf32>
    %mul3A_542 = arith.constant 2.560000e+02 : f32
    %mul3A_543 = vector.broadcast %mul3A_542 : f32 to vector<3x64xf32>
    %mul3A_544 = arith.mulf %dot_general3A_541, %mul3A_543 : vector<3x64xf32>
    %concatenate3A_545 = tpu.concatenate %mul3A_529, %mul3A_534, %mul3A_539, %mul3A_544 in 0 : vector<3x64xf32>, vector<3x64xf32>, vector<3x64xf32>, vector<3x64xf32> -> vector<12x64xf32>
    %concatenate3A_546 = tpu.concatenate %sub3A_516, %sub3A_516, %sub3A_516, %sub3A_516 in 0 : vector<3x1xf32>, vector<3x1xf32>, vector<3x1xf32>, vector<3x1xf32> -> vector<12x1xf32>
    %sub3A_547 = arith.constant 5.54517746 : f32
    %sub3A_548 = vector.broadcast %sub3A_547 : f32 to vector<12x1xf32>
    %sub3A_549 = arith.subf %concatenate3A_546, %sub3A_548 : vector<12x1xf32>
    %dot_general3A_550 = arith.constant dense<0.000000e+00> : vector<12x4xf32>
    %dot_general3A_551 = tpu.matmul %concatenate3A_545, %concatenate3A, %dot_general3A_550 {dimension_numbers = #tpu.dot_dimension_numbers<[1], [0], [0], [1], [0, 0, 1, 1], [], []>, transpose_lhs_hint = false} : vector<12x64xf32>, vector<64x4xf32>, vector<12x4xf32> -> vector<12x4xf32>
    %log3A_552 = math.log %dot_general3A_551 : vector<12x4xf32>
    %add3A_553 = vector.broadcast %sub3A_549 : vector<12x1xf32> to vector<12x4xf32>
    %add3A_554 = arith.addf %log3A_552, %add3A_553 : vector<12x4xf32>
    %swap3A_555 = arith.constant 41 : index
    %swap3A_556 = arith.constant 0 : index
    %swap3A_557 = vector.load %arg3[%swap3A_555, %swap3A_556] : memref<7200x4xf32, #tpu.memory_space<vmem>>, vector<12x4xf32>
    tpu.vector_store %arg3[%swap3A_555, %swap3A_556], %add3A_554 {strides = array<i32>} : memref<7200x4xf32, #tpu.memory_space<vmem>>, vector<12x4xf32>,
    %dot_general3A_558 = arith.constant dense<0.000000e+00> : vector<12x64xf32>
    %dot_general3A_559 = tpu.matmul %concatenate3A_545, %transpose3A, %dot_general3A_558 {dimension_numbers = #tpu.dot_dimension_numbers<[1], [0], [0], [1], [0, 0, 1, 1], [], []>, transpose_lhs_hint = false} : vector<12x64xf32>, vector<64x64xf32>, vector<12x64xf32> -> vector<12x64xf32>
    %mul3A_560 = arith.constant 2.560000e+02 : f32
    %mul3A_561 = vector.broadcast %mul3A_560 : f32 to vector<12x64xf32>
    %mul3A_562 = arith.mulf %dot_general3A_559, %mul3A_561 : vector<12x64xf32>
    %dot_general3A_563 = arith.constant dense<0.000000e+00> : vector<12x64xf32>
    %dot_general3A_564 = tpu.matmul %concatenate3A_545, %transpose3A_11, %dot_general3A_563 {dimension_numbers = #tpu.dot_dimension_numbers<[1], [0], [0], [1], [0, 0, 1, 1], [], []>, transpose_lhs_hint = false} : vector<12x64xf32>, vector<64x64xf32>, vector<12x64xf32> -> vector<12x64xf32>
    %mul3A_565 = arith.constant 2.560000e+02 : f32
    %mul3A_566 = vector.broadcast %mul3A_565 : f32 to vector<12x64xf32>
    %mul3A_567 = arith.mulf %dot_general3A_564, %mul3A_566 : vector<12x64xf32>
    %dot_general3A_568 = arith.constant dense<0.000000e+00> : vector<12x64xf32>
    %dot_general3A_569 = tpu.matmul %concatenate3A_545, %transpose3A_14, %dot_general3A_568 {dimension_numbers = #tpu.dot_dimension_numbers<[1], [0], [0], [1], [0, 0, 1, 1], [], []>, transpose_lhs_hint = false} : vector<12x64xf32>, vector<64x64xf32>, vector<12x64xf32> -> vector<12x64xf32>
    %mul3A_570 = arith.constant 2.560000e+02 : f32
    %mul3A_571 = vector.broadcast %mul3A_570 : f32 to vector<12x64xf32>
    %mul3A_572 = arith.mulf %dot_general3A_569, %mul3A_571 : vector<12x64xf32>
    %dot_general3A_573 = arith.constant dense<0.000000e+00> : vector<12x64xf32>
    %dot_general3A_574 = tpu.matmul %concatenate3A_545, %transpose3A_17, %dot_general3A_573 {dimension_numbers = #tpu.dot_dimension_numbers<[1], [0], [0], [1], [0, 0, 1, 1], [], []>, transpose_lhs_hint = false} : vector<12x64xf32>, vector<64x64xf32>, vector<12x64xf32> -> vector<12x64xf32>
    %mul3A_575 = arith.constant 2.560000e+02 : f32
    %mul3A_576 = vector.broadcast %mul3A_575 : f32 to vector<12x64xf32>
    %mul3A_577 = arith.mulf %dot_general3A_574, %mul3A_576 : vector<12x64xf32>
    %concatenate3A_578 = tpu.concatenate %mul3A_562, %mul3A_567, %mul3A_572, %mul3A_577 in 0 : vector<12x64xf32>, vector<12x64xf32>, vector<12x64xf32>, vector<12x64xf32> -> vector<48x64xf32>
    %concatenate3A_579 = tpu.concatenate %sub3A_549, %sub3A_549, %sub3A_549, %sub3A_549 in 0 : vector<12x1xf32>, vector<12x1xf32>, vector<12x1xf32>, vector<12x1xf32> -> vector<48x1xf32>
    %sub3A_580 = arith.constant 5.54517746 : f32
    %sub3A_581 = vector.broadcast %sub3A_580 : f32 to vector<48x1xf32>
    %sub3A_582 = arith.subf %concatenate3A_579, %sub3A_581 : vector<48x1xf32>
    %reduce_max3A_583 = arith.constant dense<0xFF800000> : vector<48xf32>
    %reduce_max3A_584 = vector.multi_reduction <maximumf>, %concatenate3A_578, %reduce_max3A_583 [1] : vector<48x64xf32> to vector<48xf32>
    %broadcast_in_dim3A_585 = vector.shape_cast %reduce_max3A_584 : vector<48xf32> to vector<48x1xf32>
    %div3A_586 = vector.broadcast %broadcast_in_dim3A_585 : vector<48x1xf32> to vector<48x64xf32>
    %div3A_587 = arith.divf %concatenate3A_578, %div3A_586 : vector<48x64xf32>
    %log3A_588 = math.log %broadcast_in_dim3A_585 : vector<48x1xf32>
    %add3A_589 = arith.addf %sub3A_582, %log3A_588 : vector<48x1xf32>
    %dot_general3A_590 = arith.constant dense<0.000000e+00> : vector<48x4xf32>
    %dot_general3A_591 = tpu.matmul %div3A_587, %concatenate3A, %dot_general3A_590 {dimension_numbers = #tpu.dot_dimension_numbers<[1], [0], [0], [1], [0, 0, 1, 1], [], []>, transpose_lhs_hint = false} : vector<48x64xf32>, vector<64x4xf32>, vector<48x4xf32> -> vector<48x4xf32>
    %log3A_592 = math.log %dot_general3A_591 : vector<48x4xf32>
    %add3A_593 = vector.broadcast %add3A_589 : vector<48x1xf32> to vector<48x4xf32>
    %add3A_594 = arith.addf %log3A_592, %add3A_593 : vector<48x4xf32>
    %swap3A_595 = arith.constant 89 : index
    %swap3A_596 = arith.constant 0 : index
    %swap3A_597 = vector.load %arg3[%swap3A_595, %swap3A_596] : memref<7200x4xf32, #tpu.memory_space<vmem>>, vector<48x4xf32>
    tpu.vector_store %arg3[%swap3A_595, %swap3A_596], %add3A_594 {strides = array<i32>} : memref<7200x4xf32, #tpu.memory_space<vmem>>, vector<48x4xf32>,
    %dot_general3A_598 = arith.constant dense<0.000000e+00> : vector<48x64xf32>
    %dot_general3A_599 = tpu.matmul %div3A_587, %transpose3A, %dot_general3A_598 {dimension_numbers = #tpu.dot_dimension_numbers<[1], [0], [0], [1], [0, 0, 1, 1], [], []>, transpose_lhs_hint = false} : vector<48x64xf32>, vector<64x64xf32>, vector<48x64xf32> -> vector<48x64xf32>
    %mul3A_600 = arith.constant 2.560000e+02 : f32
    %mul3A_601 = vector.broadcast %mul3A_600 : f32 to vector<48x64xf32>
    %mul3A_602 = arith.mulf %dot_general3A_599, %mul3A_601 : vector<48x64xf32>
    %dot_general3A_603 = arith.constant dense<0.000000e+00> : vector<48x64xf32>
    %dot_general3A_604 = tpu.matmul %div3A_587, %transpose3A_11, %dot_general3A_603 {dimension_numbers = #tpu.dot_dimension_numbers<[1], [0], [0], [1], [0, 0, 1, 1], [], []>, transpose_lhs_hint = false} : vector<48x64xf32>, vector<64x64xf32>, vector<48x64xf32> -> vector<48x64xf32>
    %mul3A_605 = arith.constant 2.560000e+02 : f32
    %mul3A_606 = vector.broadcast %mul3A_605 : f32 to vector<48x64xf32>
    %mul3A_607 = arith.mulf %dot_general3A_604, %mul3A_606 : vector<48x64xf32>
    %dot_general3A_608 = arith.constant dense<0.000000e+00> : vector<48x64xf32>
    %dot_general3A_609 = tpu.matmul %div3A_587, %transpose3A_14, %dot_general3A_608 {dimension_numbers = #tpu.dot_dimension_numbers<[1], [0], [0], [1], [0, 0, 1, 1], [], []>, transpose_lhs_hint = false} : vector<48x64xf32>, vector<64x64xf32>, vector<48x64xf32> -> vector<48x64xf32>
    %mul3A_610 = arith.constant 2.560000e+02 : f32
    %mul3A_611 = vector.broadcast %mul3A_610 : f32 to vector<48x64xf32>
    %mul3A_612 = arith.mulf %dot_general3A_609, %mul3A_611 : vector<48x64xf32>
    %dot_general3A_613 = arith.constant dense<0.000000e+00> : vector<48x64xf32>
    %dot_general3A_614 = tpu.matmul %div3A_587, %transpose3A_17, %dot_general3A_613 {dimension_numbers = #tpu.dot_dimension_numbers<[1], [0], [0], [1], [0, 0, 1, 1], [], []>, transpose_lhs_hint = false} : vector<48x64xf32>, vector<64x64xf32>, vector<48x64xf32> -> vector<48x64xf32>
    %mul3A_615 = arith.constant 2.560000e+02 : f32
    %mul3A_616 = vector.broadcast %mul3A_615 : f32 to vector<48x64xf32>
    %mul3A_617 = arith.mulf %dot_general3A_614, %mul3A_616 : vector<48x64xf32>
    %concatenate3A_618 = tpu.concatenate %mul3A_602, %mul3A_607, %mul3A_612, %mul3A_617 in 0 : vector<48x64xf32>, vector<48x64xf32>, vector<48x64xf32>, vector<48x64xf32> -> vector<192x64xf32>
    %concatenate3A_619 = tpu.concatenate %add3A_589, %add3A_589, %add3A_589, %add3A_589 in 0 : vector<48x1xf32>, vector<48x1xf32>, vector<48x1xf32>, vector<48x1xf32> -> vector<192x1xf32>
    %sub3A_620 = arith.constant 5.54517746 : f32
    %sub3A_621 = vector.broadcast %sub3A_620 : f32 to vector<192x1xf32>
    %sub3A_622 = arith.subf %concatenate3A_619, %sub3A_621 : vector<192x1xf32>
    %dot_general3A_623 = arith.constant dense<0.000000e+00> : vector<192x4xf32>
    %dot_general3A_624 = tpu.matmul %concatenate3A_618, %concatenate3A, %dot_general3A_623 {dimension_numbers = #tpu.dot_dimension_numbers<[1], [0], [0], [1], [0, 0, 1, 1], [], []>, transpose_lhs_hint = false} : vector<192x64xf32>, vector<64x4xf32>, vector<192x4xf32> -> vector<192x4xf32>
    %log3A_625 = math.log %dot_general3A_624 : vector<192x4xf32>
    %add3A_626 = vector.broadcast %sub3A_622 : vector<192x1xf32> to vector<192x4xf32>
    %add3A_627 = arith.addf %log3A_625, %add3A_626 : vector<192x4xf32>
    %swap3A_628 = arith.constant 281 : index
    %swap3A_629 = arith.constant 0 : index
    %swap3A_630 = vector.load %arg3[%swap3A_628, %swap3A_629] : memref<7200x4xf32, #tpu.memory_space<vmem>>, vector<192x4xf32>
    tpu.vector_store %arg3[%swap3A_628, %swap3A_629], %add3A_627 {strides = array<i32>} : memref<7200x4xf32, #tpu.memory_space<vmem>>, vector<192x4xf32>,
    %dot_general3A_631 = arith.constant dense<0.000000e+00> : vector<192x64xf32>
    %dot_general3A_632 = tpu.matmul %concatenate3A_618, %transpose3A, %dot_general3A_631 {dimension_numbers = #tpu.dot_dimension_numbers<[1], [0], [0], [1], [0, 0, 1, 1], [], []>, transpose_lhs_hint = false} : vector<192x64xf32>, vector<64x64xf32>, vector<192x64xf32> -> vector<192x64xf32>
    %mul3A_633 = arith.constant 2.560000e+02 : f32
    %mul3A_634 = vector.broadcast %mul3A_633 : f32 to vector<192x64xf32>
    %mul3A_635 = arith.mulf %dot_general3A_632, %mul3A_634 : vector<192x64xf32>
    %dot_general3A_636 = arith.constant dense<0.000000e+00> : vector<192x64xf32>
    %dot_general3A_637 = tpu.matmul %concatenate3A_618, %transpose3A_11, %dot_general3A_636 {dimension_numbers = #tpu.dot_dimension_numbers<[1], [0], [0], [1], [0, 0, 1, 1], [], []>, transpose_lhs_hint = false} : vector<192x64xf32>, vector<64x64xf32>, vector<192x64xf32> -> vector<192x64xf32>
    %mul3A_638 = arith.constant 2.560000e+02 : f32
    %mul3A_639 = vector.broadcast %mul3A_638 : f32 to vector<192x64xf32>
    %mul3A_640 = arith.mulf %dot_general3A_637, %mul3A_639 : vector<192x64xf32>
    %dot_general3A_641 = arith.constant dense<0.000000e+00> : vector<192x64xf32>
    %dot_general3A_642 = tpu.matmul %concatenate3A_618, %transpose3A_14, %dot_general3A_641 {dimension_numbers = #tpu.dot_dimension_numbers<[1], [0], [0], [1], [0, 0, 1, 1], [], []>, transpose_lhs_hint = false} : vector<192x64xf32>, vector<64x64xf32>, vector<192x64xf32> -> vector<192x64xf32>
    %mul3A_643 = arith.constant 2.560000e+02 : f32
    %mul3A_644 = vector.broadcast %mul3A_643 : f32 to vector<192x64xf32>
    %mul3A_645 = arith.mulf %dot_general3A_642, %mul3A_644 : vector<192x64xf32>
    %dot_general3A_646 = arith.constant dense<0.000000e+00> : vector<192x64xf32>
    %dot_general3A_647 = tpu.matmul %concatenate3A_618, %transpose3A_17, %dot_general3A_646 {dimension_numbers = #tpu.dot_dimension_numbers<[1], [0], [0], [1], [0, 0, 1, 1], [], []>, transpose_lhs_hint = false} : vector<192x64xf32>, vector<64x64xf32>, vector<192x64xf32> -> vector<192x64xf32>
    %mul3A_648 = arith.constant 2.560000e+02 : f32
    %mul3A_649 = vector.broadcast %mul3A_648 : f32 to vector<192x64xf32>
    %mul3A_650 = arith.mulf %dot_general3A_647, %mul3A_649 : vector<192x64xf32>
    %concatenate3A_651 = tpu.concatenate %mul3A_635, %mul3A_640, %mul3A_645, %mul3A_650 in 0 : vector<192x64xf32>, vector<192x64xf32>, vector<192x64xf32>, vector<192x64xf32> -> vector<768x64xf32>
    %concatenate3A_652 = tpu.concatenate %sub3A_622, %sub3A_622, %sub3A_622, %sub3A_622 in 0 : vector<192x1xf32>, vector<192x1xf32>, vector<192x1xf32>, vector<192x1xf32> -> vector<768x1xf32>
    %sub3A_653 = arith.constant 5.54517746 : f32
    %sub3A_654 = vector.broadcast %sub3A_653 : f32 to vector<768x1xf32>
    %sub3A_655 = arith.subf %concatenate3A_652, %sub3A_654 : vector<768x1xf32>
    %dot_general3A_656 = arith.constant dense<0.000000e+00> : vector<768x4xf32>
    %dot_general3A_657 = tpu.matmul %concatenate3A_651, %concatenate3A, %dot_general3A_656 {dimension_numbers = #tpu.dot_dimension_numbers<[1], [0], [0], [1], [0, 0, 1, 1], [], []>, transpose_lhs_hint = false} : vector<768x64xf32>, vector<64x4xf32>, vector<768x4xf32> -> vector<768x4xf32>
    %log3A_658 = math.log %dot_general3A_657 : vector<768x4xf32>
    %add3A_659 = vector.broadcast %sub3A_655 : vector<768x1xf32> to vector<768x4xf32>
    %add3A_660 = arith.addf %log3A_658, %add3A_659 : vector<768x4xf32>
    %swap3A_661 = arith.constant 1049 : index
    %swap3A_662 = arith.constant 0 : index
    %swap3A_663 = vector.load %arg3[%swap3A_661, %swap3A_662] : memref<7200x4xf32, #tpu.memory_space<vmem>>, vector<768x4xf32>
    tpu.vector_store %arg3[%swap3A_661, %swap3A_662], %add3A_660 {strides = array<i32>} : memref<7200x4xf32, #tpu.memory_space<vmem>>, vector<768x4xf32>,
    %dot_general3A_664 = arith.constant dense<0.000000e+00> : vector<768x64xf32>
    %dot_general3A_665 = tpu.matmul %concatenate3A_651, %transpose3A, %dot_general3A_664 {dimension_numbers = #tpu.dot_dimension_numbers<[1], [0], [0], [1], [0, 0, 1, 1], [], []>, transpose_lhs_hint = false} : vector<768x64xf32>, vector<64x64xf32>, vector<768x64xf32> -> vector<768x64xf32>
    %mul3A_666 = arith.constant 2.560000e+02 : f32
    %mul3A_667 = vector.broadcast %mul3A_666 : f32 to vector<768x64xf32>
    %mul3A_668 = arith.mulf %dot_general3A_665, %mul3A_667 : vector<768x64xf32>
    %dot_general3A_669 = arith.constant dense<0.000000e+00> : vector<768x64xf32>
    %dot_general3A_670 = tpu.matmul %concatenate3A_651, %transpose3A_11, %dot_general3A_669 {dimension_numbers = #tpu.dot_dimension_numbers<[1], [0], [0], [1], [0, 0, 1, 1], [], []>, transpose_lhs_hint = false} : vector<768x64xf32>, vector<64x64xf32>, vector<768x64xf32> -> vector<768x64xf32>
    %mul3A_671 = arith.constant 2.560000e+02 : f32
    %mul3A_672 = vector.broadcast %mul3A_671 : f32 to vector<768x64xf32>
    %mul3A_673 = arith.mulf %dot_general3A_670, %mul3A_672 : vector<768x64xf32>
    %dot_general3A_674 = arith.constant dense<0.000000e+00> : vector<768x64xf32>
    %dot_general3A_675 = tpu.matmul %concatenate3A_651, %transpose3A_14, %dot_general3A_674 {dimension_numbers = #tpu.dot_dimension_numbers<[1], [0], [0], [1], [0, 0, 1, 1], [], []>, transpose_lhs_hint = false} : vector<768x64xf32>, vector<64x64xf32>, vector<768x64xf32> -> vector<768x64xf32>
    %mul3A_676 = arith.constant 2.560000e+02 : f32
    %mul3A_677 = vector.broadcast %mul3A_676 : f32 to vector<768x64xf32>
    %mul3A_678 = arith.mulf %dot_general3A_675, %mul3A_677 : vector<768x64xf32>
    %dot_general3A_679 = arith.constant dense<0.000000e+00> : vector<768x64xf32>
    %dot_general3A_680 = tpu.matmul %concatenate3A_651, %transpose3A_17, %dot_general3A_679 {dimension_numbers = #tpu.dot_dimension_numbers<[1], [0], [0], [1], [0, 0, 1, 1], [], []>, transpose_lhs_hint = false} : vector<768x64xf32>, vector<64x64xf32>, vector<768x64xf32> -> vector<768x64xf32>
    %mul3A_681 = arith.constant 2.560000e+02 : f32
    %mul3A_682 = vector.broadcast %mul3A_681 : f32 to vector<768x64xf32>
    %mul3A_683 = arith.mulf %dot_general3A_680, %mul3A_682 : vector<768x64xf32>
    %concatenate3A_684 = tpu.concatenate %mul3A_668, %mul3A_673, %mul3A_678, %mul3A_683 in 0 : vector<768x64xf32>, vector<768x64xf32>, vector<768x64xf32>, vector<768x64xf32> -> vector<3072x64xf32>
    %concatenate3A_685 = tpu.concatenate %sub3A_655, %sub3A_655, %sub3A_655, %sub3A_655 in 0 : vector<768x1xf32>, vector<768x1xf32>, vector<768x1xf32>, vector<768x1xf32> -> vector<3072x1xf32>
    %sub3A_686 = arith.constant 5.54517746 : f32
    %sub3A_687 = vector.broadcast %sub3A_686 : f32 to vector<3072x1xf32>
    %sub3A_688 = arith.subf %concatenate3A_685, %sub3A_687 : vector<3072x1xf32>
    %dot_general3A_689 = arith.constant dense<0.000000e+00> : vector<3072x4xf32>
    %dot_general3A_690 = tpu.matmul %concatenate3A_684, %concatenate3A, %dot_general3A_689 {dimension_numbers = #tpu.dot_dimension_numbers<[1], [0], [0], [1], [0, 0, 1, 1], [], []>, transpose_lhs_hint = false} : vector<3072x64xf32>, vector<64x4xf32>, vector<3072x4xf32> -> vector<3072x4xf32>
    %log3A_691 = math.log %dot_general3A_690 : vector<3072x4xf32>
    %add3A_692 = vector.broadcast %sub3A_688 : vector<3072x1xf32> to vector<3072x4xf32>
    %add3A_693 = arith.addf %log3A_691, %add3A_692 : vector<3072x4xf32>
    %swap3A_694 = arith.constant 4121 : index
    %swap3A_695 = arith.constant 0 : index
    %swap3A_696 = vector.load %arg3[%swap3A_694, %swap3A_695] : memref<7200x4xf32, #tpu.memory_space<vmem>>, vector<3072x4xf32>
    tpu.vector_store %arg3[%swap3A_694, %swap3A_695], %add3A_693 {strides = array<i32>} : memref<7200x4xf32, #tpu.memory_space<vmem>>, vector<3072x4xf32>,
    return
  }
}

</mosaic_0001>

<sc_bundles>
// kernel: kernel.4.cloned.1.call-start
scs
__scs_entry_jumppad:
0x0: {  	(pc) =	sbr.rel $0x88, $3  }
0x1: {  	(tag) =	ssettag $0x0;
	lr =	simm.s32 $0x1  }
0x2: {  	[smem:$0x3F9E] =	sst lr;
	_ =	strace $0xD0000000  }
0x3: {  	_ = 	snop  }
0x4: {  	_ = 	snop  }
0x5: {  	_ = 	snop  }
0x6: {  	_ = 	snop  }
0x7: {  	_ = 	snop  }
__scs_overlays_trampoline_lowered:
0x8: {  	[smem:$0x3FAD] =	sst s0  }
0x9: {  	[smem:$0x3FAE] =	sst s1  }
0xa: {  	[smem:$0x3FAF] =	sst s2  }
0xb: {  	[smem:$0x3FB0] =	sst s3  }
0xc: {  	[smem:$0x3FB1] =	sst s4  }
0xd: {  	[smem:$0x3FB2] =	sst s5  }
0xe: {  	[smem:$0x3FB3] =	sst s6  }
0xf: {  	[smem:$0x3FB4] =	sst s7  }
0x10: {  	[smem:$0x3FB5] =	sst s8  }
0x11: {  	[smem:$0x3FB6] =	sst s9;
	s0 =	simm.s32 @!p0 $0x0  }
0x12: {  	s1 =	sld [smem:$0x3F9C];
	s0 =	simm.s32 @p0 $0x1  }
0x13: {  	[smem:$0x3FB7] =	sst s0;
	s0 =	simm.s32 @!p1 $0x0  }
0x14: {  	s2 =	sld [smem:$0x3F9B];
	s0 =	simm.s32 @p1 $0x1  }
0x15: {  	[smem:$0x3FB8] =	sst s0;
	s0 =	simm.s32 @!p2 $0x0  }
0x16: {  	s3 =	sld [smem:$0x3FDB];
	s0 =	simm.s32 @p2 $0x1  }
0x17: {  	s4 =	simm.s32 $0x1BF5;
	[smem:$0x3FBA] =	sst s0  }
0x18: {  	s0 =	sld [smem:$0x3F9D];
	_ =	swait.ge [sflag:s4], $0x0  }
0x19: {  	s7 =	sld [smem:$0x3F9E]  }
0x1a: {  	s8 =	sadd.s32 $0xFFFFE003, lr  }
0x1b: {  	s9 =	sadd.s32 $0xFFFFFEF7, lr;
	s5 =	simm.s32 $0xFFFFFFFF;
	p2 =	slt.u32 s8, $0xFFFFF086  }
0x1c: {  	p1 =	slt.u32 s9, $0xF7A;
	s5 =	simm.s32 @!p2 $0x0  }
0x1d: {  	s5 =	simm.s32 @p1 $0x1;
	p0 =	seq.s32 s7, s2  }
0x1e: {  	s7 =	smul.u32 @!p0 $0xF7A, s2;
	p2 =	seq.s32 @!p0 s5, $0x0  }
0x1f: {  	s9 =	smul.u32 $0xF7A, s1;
	s8 =	simm.s32 @!p0 $0x1BF5;
	p2 =	por !p2, p0  }
0x20: {  	[sflag:s8] =	ssyncset.s32 @!p0 $0xFFFFF086;
	s6 =	sadd.s32 @!p0 s3, s7;
	s7 =	simm.s32 @!p0 $0x108  }
0x21: {  	s3 =	sadd.s32 s3, s9;
	s6 =	sadd.s32 @!p0 $0x88, s6;
	s7 =	simm.s32 @p2 $0x1082  }
0x22: {  	[simem:s7], [sflag:s8] =	dma.local @!p0 [hbm:s6], $0xF7A  }
0x23: {  	s9 =	sor.u32 $0xD0000000, s2;
	s6 =	simm.s32 $0x108;
	_ =	swait.ge @!p0 [sflag:s8], $0x0  }
0x24: {  	s3 =	sadd.s32 $0x88, s3;
	s6 =	simm.s32 @!p1 $0x1082;
	[sflag:s4] =	ssyncset.s32 $0xFFFFF086  }
0x25: {  	[simem:s6], [sflag:s4] =	dma.local [hbm:s3], $0xF7A  }
0x26: {  	[smem:$0x3F9E] =	sst s1;
	(tag) =	ssettag s2;
	_ =	strace s9  }
0x27: {  	s1 =	sld [smem:$0x3FAE]  }
0x28: {  	s2 =	sld [smem:$0x3FAF]  }
0x29: {  	s4 =	sld [smem:$0x3FB1]  }
0x2a: {  	p0 =	seq.s32 s5, $0x0;
	s5 =	sld [smem:$0x3FB2]  }
0x2b: {  	s6 =	sld [smem:$0x3FB3]  }
0x2c: {  	s7 =	sld [smem:$0x3FB4]  }
0x2d: {  	s3 =	simm.s32 $0x108;
	s8 =	sld [smem:$0x3FB5]  }
0x2e: {  	s3 =	simm.s32 @!p0 $0x1082;
	s9 =	sld [smem:$0x3FB6]  }
0x2f: {  	lr =	sadd.s32 s0, s3;
	s0 =	sld [smem:$0x3FAD]  }
0x30: {  	s3 =	sld [smem:$0x3FB0]  }
0x31: {  	[smem:$0x3FB9] =	sst s10  }
0x32: {  	s10 =	sld [smem:$0x3FB7];
	_ =	sdelay $0x3  }
0x33: {  	p0 =	seq.s32 s10, $0x1;
	s10 =	sld [smem:$0x3FB9];
	_ =	sdelay $0x3  }
0x34: {  	[smem:$0x3FB9] =	sst s10  }
0x35: {  	s10 =	sld [smem:$0x3FB8];
	_ =	sdelay $0x3  }
0x36: {  	p1 =	seq.s32 s10, $0x1;
	s10 =	sld [smem:$0x3FB9];
	_ =	sdelay $0x3  }
0x37: {  	[smem:$0x3FB9] =	sst s10  }
0x38: {  	s10 =	sld [smem:$0x3FBA]  }
0x39: {  	_ = 	snop;
	(pc) =	sbr.ind lr, $3  }
0x3a: {  	_ = 	snop  }
0x3b: {  	_ = 	snop  }
0x3c: {  	p2 =	seq.s32 s10, $0x1;
	s10 =	sld [smem:$0x3FB9]  }
0x3d: {  	_ =	shalt  }
0x3e: {  	_ =	shalt  }
0x3f: {  	_ =	shalt  }
0x40: {  	_ =	shalt  }
0x41: {  	_ =	shalt  }
0x42: {  	_ =	shalt  }
0x43: {  	_ =	shalt  }
0x44: {  	_ =	shalt  }
0x45: {  	_ =	shalt  }
0x46: {  	_ =	shalt  }
0x47: {  	_ =	shalt  }
0x48: {  	_ =	shalt  }
0x49: {  	_ =	shalt  }
0x4a: {  	_ =	shalt  }
0x4b: {  	_ =	shalt  }
0x4c: {  	_ =	shalt  }
0x4d: {  	_ =	shalt  }
0x4e: {  	_ =	shalt  }
0x4f: {  	_ =	shalt  }
0x50: {  	_ =	shalt  }
0x51: {  	_ =	shalt  }
0x52: {  	_ =	shalt  }
0x53: {  	_ =	shalt  }
0x54: {  	_ =	shalt  }
0x55: {  	_ =	shalt  }
0x56: {  	_ =	shalt  }
0x57: {  	_ =	shalt  }
0x58: {  	_ =	shalt  }
0x59: {  	_ =	shalt  }
0x5a: {  	_ =	shalt  }
0x5b: {  	_ =	shalt  }
0x5c: {  	_ =	shalt  }
0x5d: {  	_ =	shalt  }
0x5e: {  	_ =	shalt  }
0x5f: {  	_ =	shalt  }
0x60: {  	_ =	shalt  }
0x61: {  	_ =	shalt  }
0x62: {  	_ =	shalt  }
0x63: {  	_ =	shalt  }
0x64: {  	_ =	shalt  }
0x65: {  	_ =	shalt  }
0x66: {  	_ =	shalt  }
0x67: {  	_ =	shalt  }
0x68: {  	_ =	shalt  }
0x69: {  	_ =	shalt  }
0x6a: {  	_ =	shalt  }
0x6b: {  	_ =	shalt  }
0x6c: {  	_ =	shalt  }
0x6d: {  	_ =	shalt  }
0x6e: {  	_ =	shalt  }
0x6f: {  	_ =	shalt  }
0x70: {  	_ =	shalt  }
0x71: {  	_ =	shalt  }
0x72: {  	_ =	shalt  }
0x73: {  	_ =	shalt  }
0x74: {  	_ =	shalt  }
0x75: {  	_ =	shalt  }
0x76: {  	_ =	shalt  }
0x77: {  	_ =	shalt  }
0x78: {  	_ =	shalt  }
0x79: {  	_ =	shalt  }
0x7a: {  	_ =	shalt  }
0x7b: {  	_ =	shalt  }
0x7c: {  	_ =	shalt  }
0x7d: {  	_ =	shalt  }
0x7e: {  	_ =	shalt  }
0x7f: {  	_ =	shalt  }
0x80: {  	_ =	shalt  }
0x81: {  	_ =	shalt  }
0x82: {  	_ =	shalt  }
0x83: {  	_ =	shalt  }
0x84: {  	_ =	shalt  }
0x85: {  	_ =	shalt  }
0x86: {  	_ =	shalt  }
0x87: {  	_ =	shalt  }
.Lfunc_end0:
.L_simem_size_0:
called_computation_lowered:
.L_overlay_start_0:
0x88: {  	s2 =	sld [smem:$0x3FD9]  }
0x89: {  	s3 =	sld [smem:$0x3FFE];
	_ =	sdelay $0x1  }
0x8a: {  	s1 =	srdreg.scid  }
0x8b: {  	s0 =	sand.u32 $0x1, s1  }
0x8c: {  	s15 =	sshll.u32 s0, $0xA;
	s2 =	sadd.s32 s3, s2  }
0x8d: {  	s2 =	sadd.s32 s2, s15  }
0x8e: {  	[smem:$0x3FC5] =	sst s2  }
0x8f: {  	_ = 	snop  }
0x90: {  	s2 =	sld [smem:$0x3FD0];
	_ =	sdelay $0x2  }
0x91: {  	s16 =	simm.s32 $0xA;
	s4 =	simm.s32 $0x10  }
0x92: {  	[smem:s4], [sflag:s16] =	dma.local [hbm:s2], $0x1  }
0x93: {  	_ =	swait.eq [sflag:s16], $0x1  }
0x94: {  	s17 =	sld [smem:$0x10];
	[sflag:s16] =	ssyncset.done $0x0  }
0x95: {  	s18 =	sld [smem:$0x11];
	[sflag:s16] =	ssyncadd.s32 $0xFFFFFFFF  }
0x96: {  	s19 =	sld [smem:$0x12];
	(tm) =	ssettm $0x1  }
0x97: {  	s5 =	sld [smem:$0x3FFB];
	_ =	sdelay $0x3  }
0x98: {  	_ =	strace s5  }
0x99: {  	s5 =	sld [smem:$0x3FFC];
	_ =	sdelay $0x3  }
0x9a: {  	_ =	strace s5  }
0x9b: {  	s5 =	sld [smem:$0x3FFD];
	_ =	sdelay $0x3  }
0x9c: {  	_ =	strace s5  }
0x9d: {  	_ =	strace $0x8FFFFFFF  }
0x9e: {  	s20 =	sld [smem:$0x3FDB];
	_ =	sdelay $0x1  }
0x9f: {  	s6 =	simm.s32 $_scs_section_size  }
0xa0: {  	s7 =	simm.s32 $_size__tile_overlayer_lowered;
	s8 =	simm.s32 $_tile_overlayer_lowered  }
0xa1: {  	s23 =	simm.s32 $0x1BFF;
	s22 =	sshll.u32 s8, $0x1;
	s5 =	sadd.s32 s6, s20  }
0xa2: {  	s9 =	simm.s32 $0x0;
	s21 =	sshll.u32 s7, $0x1;
	s7 =	sadd.s32 s22, s5  }
0xa3: {  	[timem:s9], [sflag:s23] =	dma.local [hbm:s7], s21  }
0xa4: {  	_ =	swait.ge [sflag:s23], s21  }
0xa5: {  	s6 =	ssub.s32 $0x0, s21;
	[sflag:s23] =	ssyncset.done $0x0  }
0xa6: {  	[sflag:s23] =	ssyncadd.s32 s6;
	_ =	sdelay $0x1  }
0xa7: {  	s24 =	simm.s32 $0x1B8B  }
0xa8: {  	_ =	swait.ge [sflag:s24], $0x1  }
0xa9: {  	[sflag:s24] =	ssyncset.done $0x0  }
0xaa: {  	s25 =	simm.s32 $0x1B8E;
	[sflag:s24] =	ssyncadd.s32 $0xFFFFFFFF  }
0xab: {  	s26 =	simm.s32 $execute0_lowered;
	[smem:$0x3FD2] =	sst s25  }
0xac: {  	s6 =	sshll.u32 s26, $0x1;
	_ =	strace $0x80000046;
	[dreg:$0x1] =	wrdreg $0xFFFFFFFF  }
0xad: {  	s28 =	simm.s32 $_size_execute0_lowered;
	s5 =	sadd.s32 s5, s6;
	[dreg:$0x0] =	wrdreg $0x0  }
0xae: {  	s6 =	sshll.u32 s28, $0x1;
	[dreg:$0x2] =	wrdreg s5  }
0xaf: {  	[dreg:$0x3] =	wrdreg s6  }
0xb0: {  	[dreg:$0x4] =	wrdreg $0xC0  }
0xb1: {  	_ =	task [dreg:s9], $0x5FFFF  }
0xb2: {  	[dreg:$0x1] =	wrdreg $0xFFFFFFFF  }
0xb3: {  	[dreg:$0x0] =	wrdreg $0x60  }
0xb4: {  	[dreg:$0x2] =	wrdreg s17  }
0xb5: {  	[dreg:$0x3] =	wrdreg s18  }
0xb6: {  	[dreg:$0x4] =	wrdreg s19  }
0xb7: {  	[dreg:$0x5] =	wrdreg $0x9  }
0xb8: {  	_ =	task.clear_ibuf [dreg:s9], $0x6FFFF;
	_ =	strace $0x90000046  }
0xb9: {  	s29 =	simm.s32 $0x9;
	_ =	strace $0x80000048  }
0xba: {  	_ =	swait.ge [sflag:s29], $0x1  }
0xbb: {  	[sflag:s29] =	ssyncadd.s32 $0xFFFFFFFF  }
0xbc: {  	_ =	strace $0x90000048  }
0xbd: {  	_ =	sfence  }
0xbe: {  	s30 =	sld [smem:$0x0];
	_ =	sdelay $0x2  }
0xbf: {  	s31 =	sshll.u32 s1, $0xD;
	s1 =	sshrl.u32 s1, $0x2  }
0xc0: {  	s3 =	sand.u32 $0x4000, s31;
	s1 =	sadd.s32 s1, s30  }
0xc1: {  	s0 =	sor.u32 s3, s0;
	s1 =	sshll.u32 s1, $0x11  }
0xc2: {  	s0 =	sor.u32 s1, s0  }
0xc3: {  	s0 =	sadd.s32 $0x8F2B, s0  }
0xc4: {  	[sflag:s0] =	ssyncadd.remote.s32 $0x1  }
0xc5: {  	_ =	sfence.sel $0xFFFF  }
0xc6: {  	[dreg:$0x0] =	wrdreg $0xFFFFFFFF;
	(pc) =	sbr.abs _section_cstart, $3  }
0xc7: {  	[dreg:$0x1] =	wrdreg $0xFFFFFFFF  }
0xc8: {  	_ =	task.clear_ibuf [dreg:s9], $0x2FFFF;
	_ =	strace $0x9FFFFFFF  }
0xc9: {  	(tm) =	ssettm $0x7FFFFFFF  }
tec
execute0_lowered:
.L_overlay_start_1:
0x0: {  	(tag) =	ssettag $0x1  }
0x1: {  	s2 =	rddreg [dreg:$0x0]  }
0x2: {  	s10 =	rddreg [dreg:$0x1]  }
0x3: {  	s23 =	rddreg [dreg:$0x2];
	s3 =	srdreg.scid  }
0x4: {  	s0 =	rddreg [dreg:$0x3];
	s1 =	stileid.u32;
	s22 =	sand.u32 $0x1, s3  }
0x5: {  	s3 =	simm.s32 $0x0;
	s4 =	sshll.u32 s1, $0x7;
	s5 =	sshll.u32 s22, $0x6  }
0x6: {  	[smem:$0x7FF] =	sst s3;
	s17 =	sor.u32 s5, s4  }
0x7: {  	_ =	strace $0x80000047;
	s4 =	simm.s32 $0x5;
	s5 =	sadd.s32 s10, s17  }
0x8: {  	[tilespmem:s3], [sflag:$0x5] =	stream.linear.gather [hbm4b:s5+s3], $0x80, $0x38;
	[tilespmem:$0x400] =	vst v63  }
0x9: {  	_ =	swait.ge [sflag:s4], $0x80  }
0xa: {  	s19 =	sor.u32 $0x10, s17;
	[sflag:s4] =	ssyncset.done $0x0  }
0xb: {  	s7 =	simm.s32 $0x80;
	s6 =	sadd.s32 s10, s19;
	[sflag:s4] =	ssyncadd.s32 $0xFFFFFF80  }
0xc: {  	[tilespmem:s7], [sflag:$0x5] =	stream.linear.gather [hbm4b:s6+s3], $0x80, $0x38;
	[tilespmem:$0x400] =	vst v63  }
0xd: {  	_ =	swait.ge [sflag:s4], $0x80  }
0xe: {  	s21 =	sor.u32 $0x20, s17;
	[sflag:s4] =	ssyncset.done $0x0  }
0xf: {  	s9 =	simm.s32 $0x100;
	s8 =	sadd.s32 s10, s21;
	[sflag:s4] =	ssyncadd.s32 $0xFFFFFF80  }
0x10: {  	[tilespmem:s9], [sflag:$0x5] =	stream.linear.gather [hbm4b:s8+s3], $0x80, $0x38;
	[tilespmem:$0x400] =	vst v63  }
0x11: {  	_ =	swait.ge [sflag:s4], $0x80  }
0x12: {  	s24 =	sor.u32 $0x30, s17;
	[sflag:s4] =	ssyncset.done $0x0  }
0x13: {  	s11 =	simm.s32 $0x180;
	s10 =	sadd.s32 s10, s24;
	[sflag:s4] =	ssyncadd.s32 $0xFFFFFF80  }
0x14: {  	[tilespmem:s11], [sflag:$0x5] =	stream.linear.gather [hbm4b:s10+s3], $0x80, $0x38;
	[tilespmem:$0x400] =	vst v63  }
0x15: {  	_ =	swait.ge [sflag:s4], $0x80  }
0x16: {  	[sflag:s4] =	ssyncset.done $0x0  }
0x17: {  	s12 =	simm.s32 $0x200;
	[sflag:s4] =	ssyncadd.s32 $0xFFFFFF80  }
0x18: {  	[tilespmem:s12], [sflag:$0x1] =	stream.indirect.gather [hbm4b:s2+s7], $0x1, s3, s7, $0xb8;
	[tilespmem:$0x400] =	vst v63  }
0x19: {  	s13 =	simm.s32 $0x280  }
0x1a: {  	[tilespmem:s13], [sflag:$0x2] =	stream.indirect.gather [hbm4b:s2+s7], $0x1, s7, s7, $0xb8;
	[tilespmem:$0x400] =	vst v63  }
0x1b: {  	s14 =	simm.s32 $0x300  }
0x1c: {  	[tilespmem:s14], [sflag:$0x3] =	stream.indirect.gather [hbm4b:s2+s7], $0x1, s9, s7, $0xb8;
	[tilespmem:$0x400] =	vst v63  }
0x1d: {  	s15 =	simm.s32 $0x380;
	s16 =	simm.s32 $0x1  }
0x1e: {  	[tilespmem:s15], [sflag:$0x4] =	stream.indirect.gather [hbm4b:s2+s7], $0x1, s11, s7, $0xb8;
	[tilespmem:$0x400] =	vst v63  }
0x1f: {  	_ =	swait.ge [sflag:s16], $0x80  }
0x20: {  	[sflag:s16] =	ssyncset.done $0x0  }
0x21: {  	s17 =	sadd.s32 s23, s17;
	[sflag:s16] =	ssyncadd.s32 $0xFFFFFF80  }
0x22: {  	[hbm4b:s17+s3] =	stream.linear.scatter [tilespmem:s12], [sflag:$0x5], $0x80, $0x38;
	[tilespmem:$0x400] =	vst v63  }
0x23: {  	_ =	swait.ge [sflag:s4], $0x80  }
0x24: {  	[sflag:s4] =	ssyncset.done $0x0  }
0x25: {  	s18 =	simm.s32 $0x2;
	[sflag:s4] =	ssyncadd.s32 $0xFFFFFF80  }
0x26: {  	_ =	swait.ge [sflag:s18], $0x80  }
0x27: {  	[sflag:s18] =	ssyncset.done $0x0  }
0x28: {  	s19 =	sadd.s32 s23, s19;
	[sflag:s18] =	ssyncadd.s32 $0xFFFFFF80  }
0x29: {  	[hbm4b:s19+s3] =	stream.linear.scatter [tilespmem:s13], [sflag:$0x5], $0x80, $0x38;
	[tilespmem:$0x400] =	vst v63  }
0x2a: {  	_ =	swait.ge [sflag:s4], $0x80  }
0x2b: {  	[sflag:s4] =	ssyncset.done $0x0  }
0x2c: {  	s20 =	simm.s32 $0x3;
	[sflag:s4] =	ssyncadd.s32 $0xFFFFFF80  }
0x2d: {  	_ =	swait.ge [sflag:s20], $0x80  }
0x2e: {  	[sflag:s20] =	ssyncset.done $0x0  }
0x2f: {  	s25 =	ssub.s32 $0x2, s22;
	s21 =	sadd.s32 s23, s21;
	[sflag:s20] =	ssyncadd.s32 $0xFFFFFF80  }
0x30: {  	[hbm4b:s21+s3] =	stream.linear.scatter [tilespmem:s14], [sflag:$0x5], $0x80, $0x38;
	[tilespmem:$0x400] =	vst v63  }
0x31: {  	s26 =	sshrl.u32 s25, $0x1;
	_ =	swait.ge [sflag:s4], $0x80  }
0x32: {  	s25 =	ssub.s32 s25, s26;
	[sflag:s4] =	ssyncset.done $0x0  }
0x33: {  	s22 =	simm.s32 $0x4;
	s31 =	smax.u32 s25, $0x1;
	[sflag:s4] =	ssyncadd.s32 $0xFFFFFF80  }
0x34: {  	p0 =	sne.s32 s31, $0x1;
	_ =	swait.ge [sflag:s22], $0x80  }
.Ltmp0:
0x35: {  	[sflag:s22] =	ssyncset.done $0x0;
	(pc) =	sbr.rel @!p0 .LBB2_2-.Ltmp0, $4  }
0x36: {  	s23 =	sadd.s32 s23, s24;
	[sflag:s22] =	ssyncadd.s32 $0xFFFFFF80  }
0x37: {  	[hbm4b:s23+s3] =	stream.linear.scatter [tilespmem:s15], [sflag:$0x5], $0x80, $0x38;
	[tilespmem:$0x400] =	vst v63  }
0x38: {  	_ =	swait.ge [sflag:s4], $0x80  }
0x39: {  	s24 =	sadd.s32 $0xFFFFFFFF, s31;
	[sflag:s4] =	ssyncset.done $0x0  }
.LBB2_1:
0x3a: {  	p0 =	sne.s32 s24, $0x1;
	s24 =	sadd.s32 $0xFFFFFFFF, s24;
	[sflag:s4] =	ssyncadd.s32 $0xFFFFFF80  }
0x3b: {  	[tilespmem:s3], [sflag:$0x5] =	stream.linear.gather [hbm4b:s5+s3], $0x80, $0x38;
	[tilespmem:$0x400] =	vst v63  }
0x3c: {  	_ =	swait.ge [sflag:s4], $0x80  }
0x3d: {  	[sflag:s4] =	ssyncset.done $0x0  }
0x3e: {  	[sflag:s4] =	ssyncadd.s32 $0xFFFFFF80  }
0x3f: {  	[tilespmem:s7], [sflag:$0x5] =	stream.linear.gather [hbm4b:s6+s3], $0x80, $0x38;
	[tilespmem:$0x400] =	vst v63  }
0x40: {  	_ =	swait.ge [sflag:s4], $0x80  }
0x41: {  	[sflag:s4] =	ssyncset.done $0x0  }
0x42: {  	[sflag:s4] =	ssyncadd.s32 $0xFFFFFF80  }
0x43: {  	[tilespmem:s9], [sflag:$0x5] =	stream.linear.gather [hbm4b:s8+s3], $0x80, $0x38;
	[tilespmem:$0x400] =	vst v63  }
0x44: {  	_ =	swait.ge [sflag:s4], $0x80  }
0x45: {  	[sflag:s4] =	ssyncset.done $0x0  }
0x46: {  	[sflag:s4] =	ssyncadd.s32 $0xFFFFFF80  }
0x47: {  	[tilespmem:s11], [sflag:$0x5] =	stream.linear.gather [hbm4b:s10+s3], $0x80, $0x38;
	[tilespmem:$0x400] =	vst v63  }
0x48: {  	_ =	swait.ge [sflag:s4], $0x80  }
0x49: {  	[sflag:s4] =	ssyncset.done $0x0  }
0x4a: {  	[sflag:s4] =	ssyncadd.s32 $0xFFFFFF80  }
0x4b: {  	[tilespmem:s12], [sflag:$0x1] =	stream.indirect.gather [hbm4b:s2+s7], $0x1, s3, s7, $0xb8;
	[tilespmem:$0x400] =	vst v63  }
0x4c: {  	_ = 	snop  }
0x4d: {  	[tilespmem:s13], [sflag:$0x2] =	stream.indirect.gather [hbm4b:s2+s7], $0x1, s7, s7, $0xb8;
	[tilespmem:$0x400] =	vst v63  }
0x4e: {  	_ = 	snop  }
0x4f: {  	[tilespmem:s14], [sflag:$0x3] =	stream.indirect.gather [hbm4b:s2+s7], $0x1, s9, s7, $0xb8;
	[tilespmem:$0x400] =	vst v63  }
0x50: {  	_ = 	snop  }
0x51: {  	[tilespmem:s15], [sflag:$0x4] =	stream.indirect.gather [hbm4b:s2+s7], $0x1, s11, s7, $0xb8;
	[tilespmem:$0x400] =	vst v63  }
0x52: {  	_ =	swait.ge [sflag:s16], $0x80  }
0x53: {  	[sflag:s16] =	ssyncset.done $0x0  }
0x54: {  	[sflag:s16] =	ssyncadd.s32 $0xFFFFFF80  }
0x55: {  	[hbm4b:s17+s3] =	stream.linear.scatter [tilespmem:s12], [sflag:$0x5], $0x80, $0x38;
	[tilespmem:$0x400] =	vst v63  }
0x56: {  	_ =	swait.ge [sflag:s4], $0x80  }
0x57: {  	[sflag:s4] =	ssyncset.done $0x0  }
0x58: {  	[sflag:s4] =	ssyncadd.s32 $0xFFFFFF80  }
0x59: {  	_ =	swait.ge [sflag:s18], $0x80  }
0x5a: {  	[sflag:s18] =	ssyncset.done $0x0  }
0x5b: {  	[sflag:s18] =	ssyncadd.s32 $0xFFFFFF80  }
0x5c: {  	[hbm4b:s19+s3] =	stream.linear.scatter [tilespmem:s13], [sflag:$0x5], $0x80, $0x38;
	[tilespmem:$0x400] =	vst v63  }
0x5d: {  	_ =	swait.ge [sflag:s4], $0x80  }
0x5e: {  	[sflag:s4] =	ssyncset.done $0x0  }
0x5f: {  	[sflag:s4] =	ssyncadd.s32 $0xFFFFFF80  }
0x60: {  	_ =	swait.ge [sflag:s20], $0x80  }
0x61: {  	[sflag:s20] =	ssyncset.done $0x0  }
0x62: {  	[sflag:s20] =	ssyncadd.s32 $0xFFFFFF80  }
0x63: {  	[hbm4b:s21+s3] =	stream.linear.scatter [tilespmem:s14], [sflag:$0x5], $0x80, $0x38;
	[tilespmem:$0x400] =	vst v63  }
0x64: {  	_ =	swait.ge [sflag:s4], $0x80  }
0x65: {  	[sflag:s4] =	ssyncset.done $0x0  }
0x66: {  	[sflag:s4] =	ssyncadd.s32 $0xFFFFFF80  }
0x67: {  	_ =	swait.ge [sflag:s22], $0x80  }
.Ltmp1:
0x68: {  	[sflag:s22] =	ssyncset.done $0x0;
	(pc) =	sbr.rel @p0 .LBB2_1-.Ltmp1, $4  }
0x69: {  	[sflag:s22] =	ssyncadd.s32 $0xFFFFFF80  }
0x6a: {  	[hbm4b:s23+s3] =	stream.linear.scatter [tilespmem:s15], [sflag:$0x5], $0x80, $0x38;
	[tilespmem:$0x400] =	vst v63  }
0x6b: {  	_ =	swait.ge [sflag:s4], $0x80  }
0x6c: {  	[sflag:s4] =	ssyncset.done $0x0  }
.LBB2_2:
0x6d: {  	[sflag:s4] =	ssyncadd.s32 $0xFFFFFF80  }
0x6e: {  	_ =	sfence.sel $0x180000  }
0x6f: {  	[bflag:$0x0] =	sbarrier.arrive $0xFFFF  }
0x70: {  	p0 =	sne.s32 s1, $0x0;
	_ =	strace $0x90000047  }
0x71: {  	s0 =	sadd.s32 @!p0 $0x100000, s0;
	[bflag:$0x2] =	sbarrier.arrive $0xFFFF  }
0x72: {  	[sflag:s0] =	ssyncadd.tile.s32 @!p0 $0x1;
	_ =	shalt  }
.Lfunc_end2:
_tile_overlayer_lowered:
.L_overlay_start_2:
0x73: {  	(tag) =	ssettag $0x2  }
0x74: {  	s0 =	rddreg [dreg:$0x0];
	s2 =	stileid.u32  }
0x75: {  	s1 =	rddreg [dreg:$0x1];
	p0 =	sne.s32 s2, $0x0  }
0x76: {  	s3 =	rddreg [dreg:$0x2];
	[bflag:$0x3] =	sbarrier.arrive $0xFFFF;
	s2 =	simm.s32 @!p0 $0x1C05  }
0x77: {  	[timem:s3], [sflag:s2] =	dma.local @!p0 [hbm:s0], s1  }
0x78: {  	s0 =	simm.s32 @!p0 $0x5  }
0x79: {  	_ =	swait.ge @!p0 [sflag:s0], s1  }
0x7a: {  	s1 =	ssub.s32 @!p0 $0x0, s1;
	[sflag:s0] =	ssyncset.done @!p0 $0x0  }
0x7b: {  	[sflag:s0] =	ssyncadd.s32 @!p0 s1  }
0x7c: {  	[bflag:$0x3] =	sbarrier.arrive $0xFFFF  }
0x7d: {  	_ =	shalt  }

</sc_bundles>
